<compile_context>
chip_gen: v7x
topology: tpu7x:2x2x1
jax: 0.10.2.dev20260603
libtpu: 0.0.44.dev20260713+nightly
codegen_flags: <defaults>
</compile_context>

<pallas_src>
import jax
import jax.numpy as jnp
from jax import lax
from jax.experimental import pallas as pl
from jax.experimental.pallas import tpu as pltpu
from jax.experimental.pallas import tpu_sc as plsc

NC = 2
NS = 16
NW = NC * NS

E = 320000
D = 128
EPW = E // NW
CH = 80
NCH = EPW // CH
GPC = CH // 16
NBUF = 4


def _body(z_hbm, src_hbm, dst_hbm, out_hbm, idx_u, idx_v, rows_u, rows_v,
          out_v, sem):
    cid = lax.axis_index("c")
    sid = lax.axis_index("s")
    wid = sid * NC + cid
    e0 = wid * EPW

    pltpu.sync_copy(src_hbm.at[pl.ds(e0, EPW)], idx_u)
    pltpu.sync_copy(dst_hbm.at[pl.ds(e0, EPW)], idx_v)

    def fire(c, b):
        pltpu.async_copy(z_hbm.at[idx_u.at[pl.ds(c * CH, CH)]],
                         rows_u.at[b], sem.at[b])
        pltpu.async_copy(z_hbm.at[idx_v.at[pl.ds(c * CH, CH)]],
                         rows_v.at[b], sem.at[b])

    def drain(c, b):
        pltpu.make_async_copy(z_hbm.at[idx_u.at[pl.ds(c * CH, CH)]],
                              rows_u.at[b], sem.at[b]).wait()
        pltpu.make_async_copy(z_hbm.at[idx_v.at[pl.ds(c * CH, CH)]],
                              rows_v.at[b], sem.at[b]).wait()

    for i in range(NBUF - 1):
        fire(i, i)

    lane = lax.iota(jnp.int32, 16)
    rots = [(lane + s) % 16 for s in (1, 2, 4, 8)]

    def rot(x, perm):
        return lax.gather(
            x, perm[:, None],
            lax.GatherDimensionNumbers(
                offset_dims=(), collapsed_slice_dims=(0,),
                start_index_map=(0,)),
            (1,), mode=lax.GatherScatterMode.PROMISE_IN_BOUNDS)

    def chunk_body(c, carry):
        b = c % NBUF
        nc = c + NBUF - 1

        @pl.when(nc < NCH)
        def _():
            fire(nc, nc % NBUF)

        drain(c, b)

        def group_body(g, carry2):
            def edge_body(j, acc):
                e = g * 16 + j
                p = None
                for k in range(D // 16):
                    u = rows_u[b, e, pl.ds(k * 16, 16)]
                    v = rows_v[b, e, pl.ds(k * 16, 16)]
                    t = u * v
                    p = t if p is None else p + t
                for perm in rots:
                    p = p + rot(p, perm)
                return jnp.where(lane == j, p, acc)

            acc = lax.fori_loop(0, 16, edge_body,
                                jnp.zeros((16,), jnp.float32), unroll=4)
            out_v[pl.ds(c * CH + g * 16, 16)] = 1.0 / (1.0 + jnp.exp(-acc))
            return carry2

        lax.fori_loop(0, GPC, group_body, 0)
        return carry

    lax.fori_loop(0, NCH, chunk_body, 0)
    pltpu.sync_copy(out_v, out_hbm.at[pl.ds(e0, EPW)])


@jax.jit
def kernel(z, edge_index):
    ei = edge_index.astype(jnp.int32)
    mesh = plsc.VectorSubcoreMesh(core_axis_name="c", subcore_axis_name="s")
    return pl.kernel(
        _body,
        out_type=jax.ShapeDtypeStruct((E,), jnp.float32),
        mesh=mesh,
        compiler_params=pltpu.CompilerParams(needs_layout_passes=False),
        scratch_types=[
            pltpu.VMEM((EPW,), jnp.int32),
            pltpu.VMEM((EPW,), jnp.int32),
            pltpu.VMEM((NBUF, CH, D), jnp.float32),
            pltpu.VMEM((NBUF, CH, D), jnp.float32),
            pltpu.VMEM((EPW,), jnp.float32),
            pltpu.SemaphoreType.DMA((NBUF,)),
        ],
    )(z, ei[0], ei[1])

# --- scband reference (transcript-rebuilt; emitter-appended) ---
"""Pipeline reference for scband-inner-product-decoder-26061861552455 (READ-ONLY COPY).

The authoritative reference and input builder live on the scoring server;
editing this copy changes nothing except your own understanding.
"""

import jax, jax.numpy as jnp
import numpy as np


def setup_inputs(seed: int = 0) -> dict:
    key = jax.random.key(seed)
    k1, k2 = jax.random.split(key)
    z = jax.random.normal(k1, (10000, 128), dtype=jnp.float32)
    edge_index = jax.random.randint(k2, (2, 320000), 0, 10000, dtype=jnp.int64)
    return {"z": z, "edge_index": edge_index}


def reference(z, edge_index):
    # gather source and destination node features
    edge_feat_user = jnp.take(z, edge_index[0], axis=0)
    edge_feat_item = jnp.take(z, edge_index[1], axis=0)
    preds = jnp.sum(edge_feat_user * edge_feat_item, axis=-1)
    preds = jax.nn.sigmoid(preds)
    return preds

if __name__ == "__main__":
    import jax
    _d = setup_inputs()
    print(jax.jit(kernel)(*tuple(_d.values())))

</pallas_src>

<mosaic_0001>
#map = affine_map<(d0, d1) -> (0, 0)>
#map1 = affine_map<(d0, d1) -> (0)>
module attributes {stable_mosaic.version = 14 : i64} {
  func.func @_body(%arg0: i32, %arg1: i32, %arg2: memref<10000x128xf32, #tpu.memory_space<hbm>>, %arg3: memref<320000xi32, #tpu.memory_space<hbm>>, %arg4: memref<320000xi32, #tpu.memory_space<hbm>>, %arg5: memref<320000xf32, #tpu.memory_space<hbm>>, %arg6: memref<10000xi32, #tpu.memory_space<vmem>>, %arg7: memref<10000xi32, #tpu.memory_space<vmem>>, %arg8: memref<4x80x128xf32, #tpu.memory_space<vmem>>, %arg9: memref<4x80x128xf32, #tpu.memory_space<vmem>>, %arg10: memref<10000xf32, #tpu.memory_space<vmem>>, %arg11: memref<4x!tpu.dma_semaphore, #tpu.memory_space<semaphore_mem>>) attributes {dimension_semantics = [#tpu.dimension_semantics<core_parallel>, #tpu.dimension_semantics<subcore_parallel>], iteration_bounds = array<i64: 2, 16>, scalar_prefetch = 0 : i64, scratch_operands = 6 : i64, tpu.core_type = #tpu.core_type<sc_vector_subcore>, window_params = [{transform_indices = #map}, {transform_indices = #map1}, {transform_indices = #map1}, {transform_indices = #map1}]} {
    %mul3A = arith.constant 2 : i32
    %mul3A_0 = arith.muli %arg1, %mul3A : i32
    %add3A = arith.addi %mul3A_0, %arg0 : i32
    %mul3A_1 = arith.constant 10000 : i32
    %mul3A_2 = arith.muli %add3A, %mul3A_1 : i32
    "tpu.region"() ({
      %run_scoped3A = tpu.sem_alloc : memref<!tpu.dma_semaphore, #tpu.memory_space<semaphore_mem>>
      %dma_start3A_178 = tpu.memref_slice %arg3[%mul3A_2] : memref<320000xi32, #tpu.memory_space<hbm>> -> memref<10000xi32, #tpu.memory_space<hbm>>
      %dma_start3A_179 = tpu.memref_slice %arg3[%mul3A_2] : memref<320000xi32, #tpu.memory_space<hbm>> -> memref<10000xi32, #tpu.memory_space<hbm>>
      tpu.enqueue_dma source(%dma_start3A_179 : memref<10000xi32, #tpu.memory_space<hbm>>) target(%arg6 : memref<10000xi32, #tpu.memory_space<vmem>>) target_semaphore(%run_scoped3A : memref<!tpu.dma_semaphore, #tpu.memory_space<semaphore_mem>>)
      %dma_wait3A = tpu.memref_slice %arg3[%mul3A_2] : memref<320000xi32, #tpu.memory_space<hbm>> -> memref<10000xi32, #tpu.memory_space<hbm>>
      %dma_wait3A_180 = tpu.memref_slice %arg3[%mul3A_2] : memref<320000xi32, #tpu.memory_space<hbm>> -> memref<10000xi32, #tpu.memory_space<hbm>>
      tpu.wait_dma2 semaphore(%run_scoped3A : memref<!tpu.dma_semaphore, #tpu.memory_space<semaphore_mem>>) src(%dma_wait3A_180 : memref<10000xi32, #tpu.memory_space<hbm>>) dst(%arg6 : memref<10000xi32, #tpu.memory_space<vmem>>)
      tpu.yield
    }) : () -> ()
    "tpu.region"() ({
      %run_scoped3A = tpu.sem_alloc : memref<!tpu.dma_semaphore, #tpu.memory_space<semaphore_mem>>
      %dma_start3A_178 = tpu.memref_slice %arg4[%mul3A_2] : memref<320000xi32, #tpu.memory_space<hbm>> -> memref<10000xi32, #tpu.memory_space<hbm>>
      %dma_start3A_179 = tpu.memref_slice %arg4[%mul3A_2] : memref<320000xi32, #tpu.memory_space<hbm>> -> memref<10000xi32, #tpu.memory_space<hbm>>
      tpu.enqueue_dma source(%dma_start3A_179 : memref<10000xi32, #tpu.memory_space<hbm>>) target(%arg7 : memref<10000xi32, #tpu.memory_space<vmem>>) target_semaphore(%run_scoped3A : memref<!tpu.dma_semaphore, #tpu.memory_space<semaphore_mem>>)
      %dma_wait3A = tpu.memref_slice %arg4[%mul3A_2] : memref<320000xi32, #tpu.memory_space<hbm>> -> memref<10000xi32, #tpu.memory_space<hbm>>
      %dma_wait3A_180 = tpu.memref_slice %arg4[%mul3A_2] : memref<320000xi32, #tpu.memory_space<hbm>> -> memref<10000xi32, #tpu.memory_space<hbm>>
      tpu.wait_dma2 semaphore(%run_scoped3A : memref<!tpu.dma_semaphore, #tpu.memory_space<semaphore_mem>>) src(%dma_wait3A_180 : memref<10000xi32, #tpu.memory_space<hbm>>) dst(%arg7 : memref<10000xi32, #tpu.memory_space<vmem>>)
      tpu.yield
    }) : () -> ()
    %dma_start3A = arith.constant 0 : i32
    %dma_start3A_3 = arith.constant 0 : i32
    %dma_start3A_4 = arith.constant 0 : i32
    %dma_start3A_5 = arith.constant 0 : i32
    %dma_start3A_6 = tpu.memref_slice %arg8[%dma_start3A, %dma_start3A_4, %dma_start3A_5] : memref<4x80x128xf32, #tpu.memory_space<vmem>> -> memref<1x80x128xf32, #tpu.memory_space<vmem>>
    %dma_start3A_7 = tpu.memref_squeeze %dma_start3A_6 : memref<1x80x128xf32, #tpu.memory_space<vmem>> -> memref<80x128xf32, #tpu.memory_space<vmem>>
    %dma_start3A_8 = arith.constant 0 : i32
    %dma_start3A_9 = tpu.memref_slice %arg6[%dma_start3A_8] : memref<10000xi32, #tpu.memory_space<vmem>> -> memref<80xi32, #tpu.memory_space<vmem>>
    %dma_start3A_10 = arith.constant 0 : i32
    %dma_start3A_11 = arith.constant 0 : i32
    %dma_start3A_12 = tpu.memref_slice %arg2[%dma_start3A_10, %dma_start3A_11] : memref<10000x128xf32, #tpu.memory_space<hbm>> -> memref<10000x128xf32, #tpu.memory_space<hbm>>
    %dma_start3A_13 = tpu.memref_slice %arg11[%dma_start3A_3] : memref<4x!tpu.dma_semaphore, #tpu.memory_space<semaphore_mem>> -> memref<1x!tpu.dma_semaphore, #tpu.memory_space<semaphore_mem>>
    %dma_start3A_14 = tpu.memref_squeeze %dma_start3A_13 : memref<1x!tpu.dma_semaphore, #tpu.memory_space<semaphore_mem>> -> memref<!tpu.dma_semaphore, #tpu.memory_space<semaphore_mem>>
    tpu.enqueue_indirect_dma source(%dma_start3A_12 : memref<10000x128xf32, #tpu.memory_space<hbm>>) target(%dma_start3A_7 : memref<80x128xf32, #tpu.memory_space<vmem>>) offsets(%dma_start3A_9 : memref<80xi32, #tpu.memory_space<vmem>>) semaphore(%dma_start3A_14 : memref<!tpu.dma_semaphore, #tpu.memory_space<semaphore_mem>>)
    %dma_start3A_15 = arith.constant 0 : i32
    %dma_start3A_16 = arith.constant 0 : i32
    %dma_start3A_17 = arith.constant 0 : i32
    %dma_start3A_18 = arith.constant 0 : i32
    %dma_start3A_19 = tpu.memref_slice %arg9[%dma_start3A_15, %dma_start3A_17, %dma_start3A_18] : memref<4x80x128xf32, #tpu.memory_space<vmem>> -> memref<1x80x128xf32, #tpu.memory_space<vmem>>
    %dma_start3A_20 = tpu.memref_squeeze %dma_start3A_19 : memref<1x80x128xf32, #tpu.memory_space<vmem>> -> memref<80x128xf32, #tpu.memory_space<vmem>>
    %dma_start3A_21 = arith.constant 0 : i32
    %dma_start3A_22 = tpu.memref_slice %arg7[%dma_start3A_21] : memref<10000xi32, #tpu.memory_space<vmem>> -> memref<80xi32, #tpu.memory_space<vmem>>
    %dma_start3A_23 = arith.constant 0 : i32
    %dma_start3A_24 = arith.constant 0 : i32
    %dma_start3A_25 = tpu.memref_slice %arg2[%dma_start3A_23, %dma_start3A_24] : memref<10000x128xf32, #tpu.memory_space<hbm>> -> memref<10000x128xf32, #tpu.memory_space<hbm>>
    %dma_start3A_26 = tpu.memref_slice %arg11[%dma_start3A_16] : memref<4x!tpu.dma_semaphore, #tpu.memory_space<semaphore_mem>> -> memref<1x!tpu.dma_semaphore, #tpu.memory_space<semaphore_mem>>
    %dma_start3A_27 = tpu.memref_squeeze %dma_start3A_26 : memref<1x!tpu.dma_semaphore, #tpu.memory_space<semaphore_mem>> -> memref<!tpu.dma_semaphore, #tpu.memory_space<semaphore_mem>>
    tpu.enqueue_indirect_dma source(%dma_start3A_25 : memref<10000x128xf32, #tpu.memory_space<hbm>>) target(%dma_start3A_20 : memref<80x128xf32, #tpu.memory_space<vmem>>) offsets(%dma_start3A_22 : memref<80xi32, #tpu.memory_space<vmem>>) semaphore(%dma_start3A_27 : memref<!tpu.dma_semaphore, #tpu.memory_space<semaphore_mem>>)
    %dma_start3A_28 = arith.constant 1 : i32
    %dma_start3A_29 = arith.constant 1 : i32
    %dma_start3A_30 = arith.constant 0 : i32
    %dma_start3A_31 = arith.constant 0 : i32
    %dma_start3A_32 = tpu.memref_slice %arg8[%dma_start3A_28, %dma_start3A_30, %dma_start3A_31] : memref<4x80x128xf32, #tpu.memory_space<vmem>> -> memref<1x80x128xf32, #tpu.memory_space<vmem>>
    %dma_start3A_33 = tpu.memref_squeeze %dma_start3A_32 : memref<1x80x128xf32, #tpu.memory_space<vmem>> -> memref<80x128xf32, #tpu.memory_space<vmem>>
    %dma_start3A_34 = arith.constant 80 : i32
    %dma_start3A_35 = tpu.memref_slice %arg6[%dma_start3A_34] : memref<10000xi32, #tpu.memory_space<vmem>> -> memref<80xi32, #tpu.memory_space<vmem>>
    %dma_start3A_36 = arith.constant 0 : i32
    %dma_start3A_37 = arith.constant 0 : i32
    %dma_start3A_38 = tpu.memref_slice %arg2[%dma_start3A_36, %dma_start3A_37] : memref<10000x128xf32, #tpu.memory_space<hbm>> -> memref<10000x128xf32, #tpu.memory_space<hbm>>
    %dma_start3A_39 = tpu.memref_slice %arg11[%dma_start3A_29] : memref<4x!tpu.dma_semaphore, #tpu.memory_space<semaphore_mem>> -> memref<1x!tpu.dma_semaphore, #tpu.memory_space<semaphore_mem>>
    %dma_start3A_40 = tpu.memref_squeeze %dma_start3A_39 : memref<1x!tpu.dma_semaphore, #tpu.memory_space<semaphore_mem>> -> memref<!tpu.dma_semaphore, #tpu.memory_space<semaphore_mem>>
    tpu.enqueue_indirect_dma source(%dma_start3A_38 : memref<10000x128xf32, #tpu.memory_space<hbm>>) target(%dma_start3A_33 : memref<80x128xf32, #tpu.memory_space<vmem>>) offsets(%dma_start3A_35 : memref<80xi32, #tpu.memory_space<vmem>>) semaphore(%dma_start3A_40 : memref<!tpu.dma_semaphore, #tpu.memory_space<semaphore_mem>>)
    %dma_start3A_41 = arith.constant 1 : i32
    %dma_start3A_42 = arith.constant 1 : i32
    %dma_start3A_43 = arith.constant 0 : i32
    %dma_start3A_44 = arith.constant 0 : i32
    %dma_start3A_45 = tpu.memref_slice %arg9[%dma_start3A_41, %dma_start3A_43, %dma_start3A_44] : memref<4x80x128xf32, #tpu.memory_space<vmem>> -> memref<1x80x128xf32, #tpu.memory_space<vmem>>
    %dma_start3A_46 = tpu.memref_squeeze %dma_start3A_45 : memref<1x80x128xf32, #tpu.memory_space<vmem>> -> memref<80x128xf32, #tpu.memory_space<vmem>>
    %dma_start3A_47 = arith.constant 80 : i32
    %dma_start3A_48 = tpu.memref_slice %arg7[%dma_start3A_47] : memref<10000xi32, #tpu.memory_space<vmem>> -> memref<80xi32, #tpu.memory_space<vmem>>
    %dma_start3A_49 = arith.constant 0 : i32
    %dma_start3A_50 = arith.constant 0 : i32
    %dma_start3A_51 = tpu.memref_slice %arg2[%dma_start3A_49, %dma_start3A_50] : memref<10000x128xf32, #tpu.memory_space<hbm>> -> memref<10000x128xf32, #tpu.memory_space<hbm>>
    %dma_start3A_52 = tpu.memref_slice %arg11[%dma_start3A_42] : memref<4x!tpu.dma_semaphore, #tpu.memory_space<semaphore_mem>> -> memref<1x!tpu.dma_semaphore, #tpu.memory_space<semaphore_mem>>
    %dma_start3A_53 = tpu.memref_squeeze %dma_start3A_52 : memref<1x!tpu.dma_semaphore, #tpu.memory_space<semaphore_mem>> -> memref<!tpu.dma_semaphore, #tpu.memory_space<semaphore_mem>>
    tpu.enqueue_indirect_dma source(%dma_start3A_51 : memref<10000x128xf32, #tpu.memory_space<hbm>>) target(%dma_start3A_46 : memref<80x128xf32, #tpu.memory_space<vmem>>) offsets(%dma_start3A_48 : memref<80xi32, #tpu.memory_space<vmem>>) semaphore(%dma_start3A_53 : memref<!tpu.dma_semaphore, #tpu.memory_space<semaphore_mem>>)
    %dma_start3A_54 = arith.constant 2 : i32
    %dma_start3A_55 = arith.constant 2 : i32
    %dma_start3A_56 = arith.constant 0 : i32
    %dma_start3A_57 = arith.constant 0 : i32
    %dma_start3A_58 = tpu.memref_slice %arg8[%dma_start3A_54, %dma_start3A_56, %dma_start3A_57] : memref<4x80x128xf32, #tpu.memory_space<vmem>> -> memref<1x80x128xf32, #tpu.memory_space<vmem>>
    %dma_start3A_59 = tpu.memref_squeeze %dma_start3A_58 : memref<1x80x128xf32, #tpu.memory_space<vmem>> -> memref<80x128xf32, #tpu.memory_space<vmem>>
    %dma_start3A_60 = arith.constant 160 : i32
    %dma_start3A_61 = tpu.memref_slice %arg6[%dma_start3A_60] : memref<10000xi32, #tpu.memory_space<vmem>> -> memref<80xi32, #tpu.memory_space<vmem>>
    %dma_start3A_62 = arith.constant 0 : i32
    %dma_start3A_63 = arith.constant 0 : i32
    %dma_start3A_64 = tpu.memref_slice %arg2[%dma_start3A_62, %dma_start3A_63] : memref<10000x128xf32, #tpu.memory_space<hbm>> -> memref<10000x128xf32, #tpu.memory_space<hbm>>
    %dma_start3A_65 = tpu.memref_slice %arg11[%dma_start3A_55] : memref<4x!tpu.dma_semaphore, #tpu.memory_space<semaphore_mem>> -> memref<1x!tpu.dma_semaphore, #tpu.memory_space<semaphore_mem>>
    %dma_start3A_66 = tpu.memref_squeeze %dma_start3A_65 : memref<1x!tpu.dma_semaphore, #tpu.memory_space<semaphore_mem>> -> memref<!tpu.dma_semaphore, #tpu.memory_space<semaphore_mem>>
    tpu.enqueue_indirect_dma source(%dma_start3A_64 : memref<10000x128xf32, #tpu.memory_space<hbm>>) target(%dma_start3A_59 : memref<80x128xf32, #tpu.memory_space<vmem>>) offsets(%dma_start3A_61 : memref<80xi32, #tpu.memory_space<vmem>>) semaphore(%dma_start3A_66 : memref<!tpu.dma_semaphore, #tpu.memory_space<semaphore_mem>>)
    %dma_start3A_67 = arith.constant 2 : i32
    %dma_start3A_68 = arith.constant 2 : i32
    %dma_start3A_69 = arith.constant 0 : i32
    %dma_start3A_70 = arith.constant 0 : i32
    %dma_start3A_71 = tpu.memref_slice %arg9[%dma_start3A_67, %dma_start3A_69, %dma_start3A_70] : memref<4x80x128xf32, #tpu.memory_space<vmem>> -> memref<1x80x128xf32, #tpu.memory_space<vmem>>
    %dma_start3A_72 = tpu.memref_squeeze %dma_start3A_71 : memref<1x80x128xf32, #tpu.memory_space<vmem>> -> memref<80x128xf32, #tpu.memory_space<vmem>>
    %dma_start3A_73 = arith.constant 160 : i32
    %dma_start3A_74 = tpu.memref_slice %arg7[%dma_start3A_73] : memref<10000xi32, #tpu.memory_space<vmem>> -> memref<80xi32, #tpu.memory_space<vmem>>
    %dma_start3A_75 = arith.constant 0 : i32
    %dma_start3A_76 = arith.constant 0 : i32
    %dma_start3A_77 = tpu.memref_slice %arg2[%dma_start3A_75, %dma_start3A_76] : memref<10000x128xf32, #tpu.memory_space<hbm>> -> memref<10000x128xf32, #tpu.memory_space<hbm>>
    %dma_start3A_78 = tpu.memref_slice %arg11[%dma_start3A_68] : memref<4x!tpu.dma_semaphore, #tpu.memory_space<semaphore_mem>> -> memref<1x!tpu.dma_semaphore, #tpu.memory_space<semaphore_mem>>
    %dma_start3A_79 = tpu.memref_squeeze %dma_start3A_78 : memref<1x!tpu.dma_semaphore, #tpu.memory_space<semaphore_mem>> -> memref<!tpu.dma_semaphore, #tpu.memory_space<semaphore_mem>>
    tpu.enqueue_indirect_dma source(%dma_start3A_77 : memref<10000x128xf32, #tpu.memory_space<hbm>>) target(%dma_start3A_72 : memref<80x128xf32, #tpu.memory_space<vmem>>) offsets(%dma_start3A_74 : memref<80xi32, #tpu.memory_space<vmem>>) semaphore(%dma_start3A_79 : memref<!tpu.dma_semaphore, #tpu.memory_space<semaphore_mem>>)
    %iota3A = tpu.iota {dimensions = array<i32: 0>} : vector<16xi32>
    %add3A_80 = arith.constant 1 : i32
    %add3A_81 = vector.broadcast %add3A_80 : i32 to vector<16xi32>
    %add3A_82 = arith.addi %iota3A, %add3A_81 : vector<16xi32>
    %jit3A = arith.constant 16 : i32
    %eq3A = arith.constant 0 : i32
    %eq3A_83 = arith.cmpi eq, %jit3A, %eq3A : i32
    %jit3A_84 = arith.constant 1 : i32
    %select_n3A = arith.select %eq3A_83, %jit3A_84, %jit3A : i32
    %rem3A = vector.broadcast %select_n3A : i32 to vector<16xi32>
    %rem3A_85 = arith.remsi %add3A_82, %rem3A : vector<16xi32>
    %ne3A = arith.constant 0 : i32
    %ne3A_86 = vector.broadcast %ne3A : i32 to vector<16xi32>
    %ne3A_87 = arith.cmpi ne, %rem3A_85, %ne3A_86 : vector<16xi32>
    %lt3A = arith.constant 0 : i32
    %lt3A_88 = vector.broadcast %lt3A : i32 to vector<16xi32>
    %lt3A_89 = arith.cmpi slt, %rem3A_85, %lt3A_88 : vector<16xi32>
    %lt3A_90 = arith.constant 0 : i32
    %lt3A_91 = arith.cmpi slt, %select_n3A, %lt3A_90 : i32
    %ne3A_92 = vector.broadcast %lt3A_91 : i1 to vector<16xi1>
    %ne3A_93 = vector.broadcast %ne3A_92 : vector<16xi1> to vector<16xi1>
    %ne3A_94 = arith.xori %lt3A_89, %ne3A_93 : vector<16xi1>
    %and3A = arith.andi %ne3A_94, %ne3A_87 : vector<16xi1>
    %add3A_95 = vector.broadcast %select_n3A : i32 to vector<16xi32>
    %add3A_96 = arith.addi %rem3A_85, %add3A_95 : vector<16xi32>
    %select_n3A_97 = arith.select %and3A, %add3A_96, %rem3A_85 : vector<16xi1>, vector<16xi32>
    %add3A_98 = arith.constant 2 : i32
    %add3A_99 = vector.broadcast %add3A_98 : i32 to vector<16xi32>
    %add3A_100 = arith.addi %iota3A, %add3A_99 : vector<16xi32>
    %jit3A_101 = arith.constant 16 : i32
    %eq3A_102 = arith.constant 0 : i32
    %eq3A_103 = arith.cmpi eq, %jit3A_101, %eq3A_102 : i32
    %jit3A_104 = arith.constant 1 : i32
    %select_n3A_105 = arith.select %eq3A_103, %jit3A_104, %jit3A_101 : i32
    %rem3A_106 = vector.broadcast %select_n3A_105 : i32 to vector<16xi32>
    %rem3A_107 = arith.remsi %add3A_100, %rem3A_106 : vector<16xi32>
    %ne3A_108 = arith.constant 0 : i32
    %ne3A_109 = vector.broadcast %ne3A_108 : i32 to vector<16xi32>
    %ne3A_110 = arith.cmpi ne, %rem3A_107, %ne3A_109 : vector<16xi32>
    %lt3A_111 = arith.constant 0 : i32
    %lt3A_112 = vector.broadcast %lt3A_111 : i32 to vector<16xi32>
    %lt3A_113 = arith.cmpi slt, %rem3A_107, %lt3A_112 : vector<16xi32>
    %lt3A_114 = arith.constant 0 : i32
    %lt3A_115 = arith.cmpi slt, %select_n3A_105, %lt3A_114 : i32
    %ne3A_116 = vector.broadcast %lt3A_115 : i1 to vector<16xi1>
    %ne3A_117 = vector.broadcast %ne3A_116 : vector<16xi1> to vector<16xi1>
    %ne3A_118 = arith.xori %lt3A_113, %ne3A_117 : vector<16xi1>
    %and3A_119 = arith.andi %ne3A_118, %ne3A_110 : vector<16xi1>
    %add3A_120 = vector.broadcast %select_n3A_105 : i32 to vector<16xi32>
    %add3A_121 = arith.addi %rem3A_107, %add3A_120 : vector<16xi32>
    %select_n3A_122 = arith.select %and3A_119, %add3A_121, %rem3A_107 : vector<16xi1>, vector<16xi32>
    %add3A_123 = arith.constant 4 : i32
    %add3A_124 = vector.broadcast %add3A_123 : i32 to vector<16xi32>
    %add3A_125 = arith.addi %iota3A, %add3A_124 : vector<16xi32>
    %jit3A_126 = arith.constant 16 : i32
    %eq3A_127 = arith.constant 0 : i32
    %eq3A_128 = arith.cmpi eq, %jit3A_126, %eq3A_127 : i32
    %jit3A_129 = arith.constant 1 : i32
    %select_n3A_130 = arith.select %eq3A_128, %jit3A_129, %jit3A_126 : i32
    %rem3A_131 = vector.broadcast %select_n3A_130 : i32 to vector<16xi32>
    %rem3A_132 = arith.remsi %add3A_125, %rem3A_131 : vector<16xi32>
    %ne3A_133 = arith.constant 0 : i32
    %ne3A_134 = vector.broadcast %ne3A_133 : i32 to vector<16xi32>
    %ne3A_135 = arith.cmpi ne, %rem3A_132, %ne3A_134 : vector<16xi32>
    %lt3A_136 = arith.constant 0 : i32
    %lt3A_137 = vector.broadcast %lt3A_136 : i32 to vector<16xi32>
    %lt3A_138 = arith.cmpi slt, %rem3A_132, %lt3A_137 : vector<16xi32>
    %lt3A_139 = arith.constant 0 : i32
    %lt3A_140 = arith.cmpi slt, %select_n3A_130, %lt3A_139 : i32
    %ne3A_141 = vector.broadcast %lt3A_140 : i1 to vector<16xi1>
    %ne3A_142 = vector.broadcast %ne3A_141 : vector<16xi1> to vector<16xi1>
    %ne3A_143 = arith.xori %lt3A_138, %ne3A_142 : vector<16xi1>
    %and3A_144 = arith.andi %ne3A_143, %ne3A_135 : vector<16xi1>
    %add3A_145 = vector.broadcast %select_n3A_130 : i32 to vector<16xi32>
    %add3A_146 = arith.addi %rem3A_132, %add3A_145 : vector<16xi32>
    %select_n3A_147 = arith.select %and3A_144, %add3A_146, %rem3A_132 : vector<16xi1>, vector<16xi32>
    %add3A_148 = arith.constant 8 : i32
    %add3A_149 = vector.broadcast %add3A_148 : i32 to vector<16xi32>
    %add3A_150 = arith.addi %iota3A, %add3A_149 : vector<16xi32>
    %jit3A_151 = arith.constant 16 : i32
    %eq3A_152 = arith.constant 0 : i32
    %eq3A_153 = arith.cmpi eq, %jit3A_151, %eq3A_152 : i32
    %jit3A_154 = arith.constant 1 : i32
    %select_n3A_155 = arith.select %eq3A_153, %jit3A_154, %jit3A_151 : i32
    %rem3A_156 = vector.broadcast %select_n3A_155 : i32 to vector<16xi32>
    %rem3A_157 = arith.remsi %add3A_150, %rem3A_156 : vector<16xi32>
    %ne3A_158 = arith.constant 0 : i32
    %ne3A_159 = vector.broadcast %ne3A_158 : i32 to vector<16xi32>
    %ne3A_160 = arith.cmpi ne, %rem3A_157, %ne3A_159 : vector<16xi32>
    %lt3A_161 = arith.constant 0 : i32
    %lt3A_162 = vector.broadcast %lt3A_161 : i32 to vector<16xi32>
    %lt3A_163 = arith.cmpi slt, %rem3A_157, %lt3A_162 : vector<16xi32>
    %lt3A_164 = arith.constant 0 : i32
    %lt3A_165 = arith.cmpi slt, %select_n3A_155, %lt3A_164 : i32
    %ne3A_166 = vector.broadcast %lt3A_165 : i1 to vector<16xi1>
    %ne3A_167 = vector.broadcast %ne3A_166 : vector<16xi1> to vector<16xi1>
    %ne3A_168 = arith.xori %lt3A_163, %ne3A_167 : vector<16xi1>
    %and3A_169 = arith.andi %ne3A_168, %ne3A_160 : vector<16xi1>
    %add3A_170 = vector.broadcast %select_n3A_155 : i32 to vector<16xi32>
    %add3A_171 = arith.addi %rem3A_157, %add3A_170 : vector<16xi32>
    %select_n3A_172 = arith.select %and3A_169, %add3A_171, %rem3A_157 : vector<16xi1>, vector<16xi32>
    %scan3A = arith.constant 0 : i32
    %scan3A_173 = arith.constant 0 : i32
    %scan3A_174 = arith.constant 125 : i32
    %scan3A_175 = arith.addi %scan3A_173, %scan3A_174 : i32
    %scan3A_176 = arith.constant 1 : i32
    scf.for %scan3A_178 = %scan3A_173 to %scan3A_175 step %scan3A_176  : i32 {
      %jit3A_179 = arith.constant 4 : i32
      %eq3A_180 = arith.constant 0 : i32
      %eq3A_181 = arith.cmpi eq, %jit3A_179, %eq3A_180 : i32
      %jit3A_182 = arith.constant 1 : i32
      %select_n3A_183 = arith.select %eq3A_181, %jit3A_182, %jit3A_179 : i32
      %rem3A_184 = arith.remsi %scan3A_178, %select_n3A_183 : i32
      %ne3A_185 = arith.constant 0 : i32
      %ne3A_186 = arith.cmpi ne, %rem3A_184, %ne3A_185 : i32
      %lt3A_187 = arith.constant 0 : i32
      %lt3A_188 = arith.cmpi slt, %rem3A_184, %lt3A_187 : i32
      %lt3A_189 = arith.constant 0 : i32
      %lt3A_190 = arith.cmpi slt, %select_n3A_183, %lt3A_189 : i32
      %ne3A_191 = arith.xori %lt3A_188, %lt3A_190 : i1
      %and3A_192 = arith.andi %ne3A_191, %ne3A_186 : i1
      %add3A_193 = arith.addi %rem3A_184, %select_n3A_183 : i32
      %select_n3A_194 = arith.select %and3A_192, %add3A_193, %rem3A_184 : i32
      %add3A_195 = arith.constant 4 : i32
      %add3A_196 = arith.addi %scan3A_178, %add3A_195 : i32
      %sub3A = arith.constant 1 : i32
      %sub3A_197 = arith.subi %add3A_196, %sub3A : i32
      %lt3A_198 = arith.constant 125 : i32
      %lt3A_199 = arith.cmpi slt, %sub3A_197, %lt3A_198 : i32
      %convert_element_type3A = arith.extui %lt3A_199 : i1 to i32
      %cond3A = arith.constant 0 : i32
      %cond3A_200 = arith.cmpi ne, %convert_element_type3A, %cond3A : i32
      scf.if %cond3A_200 {
        %jit3A_230 = arith.constant 4 : i32
        %eq3A_231 = arith.constant 0 : i32
        %eq3A_232 = arith.cmpi eq, %jit3A_230, %eq3A_231 : i32
        %jit3A_233 = arith.constant 1 : i32
        %select_n3A_234 = arith.select %eq3A_232, %jit3A_233, %jit3A_230 : i32
        %rem3A_235 = arith.remsi %sub3A_197, %select_n3A_234 : i32
        %ne3A_236 = arith.constant 0 : i32
        %ne3A_237 = arith.cmpi ne, %rem3A_235, %ne3A_236 : i32
        %lt3A_238 = arith.constant 0 : i32
        %lt3A_239 = arith.cmpi slt, %rem3A_235, %lt3A_238 : i32
        %lt3A_240 = arith.constant 0 : i32
        %lt3A_241 = arith.cmpi slt, %select_n3A_234, %lt3A_240 : i32
        %ne3A_242 = arith.xori %lt3A_239, %lt3A_241 : i1
        %and3A_243 = arith.andi %ne3A_242, %ne3A_237 : i1
        %add3A_244 = arith.addi %rem3A_235, %select_n3A_234 : i32
        %select_n3A_245 = arith.select %and3A_243, %add3A_244, %rem3A_235 : i32
        %mul3A_246 = arith.constant 80 : i32
        %mul3A_247 = arith.muli %sub3A_197, %mul3A_246 : i32
        %dma_start3A_248 = arith.constant 0 : i32
        %dma_start3A_249 = arith.constant 0 : i32
        %dma_start3A_250 = tpu.memref_slice %arg8[%select_n3A_245, %dma_start3A_248, %dma_start3A_249] : memref<4x80x128xf32, #tpu.memory_space<vmem>> -> memref<1x80x128xf32, #tpu.memory_space<vmem>>
        %dma_start3A_251 = tpu.memref_squeeze %dma_start3A_250 : memref<1x80x128xf32, #tpu.memory_space<vmem>> -> memref<80x128xf32, #tpu.memory_space<vmem>>
        %dma_start3A_252 = tpu.memref_slice %arg6[%mul3A_247] : memref<10000xi32, #tpu.memory_space<vmem>> -> memref<80xi32, #tpu.memory_space<vmem>>
        %dma_start3A_253 = arith.constant 0 : i32
        %dma_start3A_254 = arith.constant 0 : i32
        %dma_start3A_255 = tpu.memref_slice %arg2[%dma_start3A_253, %dma_start3A_254] : memref<10000x128xf32, #tpu.memory_space<hbm>> -> memref<10000x128xf32, #tpu.memory_space<hbm>>
        %dma_start3A_256 = tpu.memref_slice %arg11[%select_n3A_245] : memref<4x!tpu.dma_semaphore, #tpu.memory_space<semaphore_mem>> -> memref<1x!tpu.dma_semaphore, #tpu.memory_space<semaphore_mem>>
        %dma_start3A_257 = tpu.memref_squeeze %dma_start3A_256 : memref<1x!tpu.dma_semaphore, #tpu.memory_space<semaphore_mem>> -> memref<!tpu.dma_semaphore, #tpu.memory_space<semaphore_mem>>
        tpu.enqueue_indirect_dma source(%dma_start3A_255 : memref<10000x128xf32, #tpu.memory_space<hbm>>) target(%dma_start3A_251 : memref<80x128xf32, #tpu.memory_space<vmem>>) offsets(%dma_start3A_252 : memref<80xi32, #tpu.memory_space<vmem>>) semaphore(%dma_start3A_257 : memref<!tpu.dma_semaphore, #tpu.memory_space<semaphore_mem>>)
        %mul3A_258 = arith.constant 80 : i32
        %mul3A_259 = arith.muli %sub3A_197, %mul3A_258 : i32
        %dma_start3A_260 = arith.constant 0 : i32
        %dma_start3A_261 = arith.constant 0 : i32
        %dma_start3A_262 = tpu.memref_slice %arg9[%select_n3A_245, %dma_start3A_260, %dma_start3A_261] : memref<4x80x128xf32, #tpu.memory_space<vmem>> -> memref<1x80x128xf32, #tpu.memory_space<vmem>>
        %dma_start3A_263 = tpu.memref_squeeze %dma_start3A_262 : memref<1x80x128xf32, #tpu.memory_space<vmem>> -> memref<80x128xf32, #tpu.memory_space<vmem>>
        %dma_start3A_264 = tpu.memref_slice %arg7[%mul3A_259] : memref<10000xi32, #tpu.memory_space<vmem>> -> memref<80xi32, #tpu.memory_space<vmem>>
        %dma_start3A_265 = arith.constant 0 : i32
        %dma_start3A_266 = arith.constant 0 : i32
        %dma_start3A_267 = tpu.memref_slice %arg2[%dma_start3A_265, %dma_start3A_266] : memref<10000x128xf32, #tpu.memory_space<hbm>> -> memref<10000x128xf32, #tpu.memory_space<hbm>>
        %dma_start3A_268 = tpu.memref_slice %arg11[%select_n3A_245] : memref<4x!tpu.dma_semaphore, #tpu.memory_space<semaphore_mem>> -> memref<1x!tpu.dma_semaphore, #tpu.memory_space<semaphore_mem>>
        %dma_start3A_269 = tpu.memref_squeeze %dma_start3A_268 : memref<1x!tpu.dma_semaphore, #tpu.memory_space<semaphore_mem>> -> memref<!tpu.dma_semaphore, #tpu.memory_space<semaphore_mem>>
        tpu.enqueue_indirect_dma source(%dma_start3A_267 : memref<10000x128xf32, #tpu.memory_space<hbm>>) target(%dma_start3A_263 : memref<80x128xf32, #tpu.memory_space<vmem>>) offsets(%dma_start3A_264 : memref<80xi32, #tpu.memory_space<vmem>>) semaphore(%dma_start3A_269 : memref<!tpu.dma_semaphore, #tpu.memory_space<semaphore_mem>>)
      } else {
      }
      %mul3A_201 = arith.constant 80 : i32
      %mul3A_202 = arith.muli %scan3A_178, %mul3A_201 : i32
      %dma_wait3A = arith.constant 0 : i32
      %dma_wait3A_203 = arith.constant 0 : i32
      %dma_wait3A_204 = tpu.memref_slice %arg8[%select_n3A_194, %dma_wait3A, %dma_wait3A_203] : memref<4x80x128xf32, #tpu.memory_space<vmem>> -> memref<1x80x128xf32, #tpu.memory_space<vmem>>
      %dma_wait3A_205 = tpu.memref_squeeze %dma_wait3A_204 : memref<1x80x128xf32, #tpu.memory_space<vmem>> -> memref<80x128xf32, #tpu.memory_space<vmem>>
      %dma_wait3A_206 = tpu.memref_slice %arg6[%mul3A_202] : memref<10000xi32, #tpu.memory_space<vmem>> -> memref<80xi32, #tpu.memory_space<vmem>>
      %dma_wait3A_207 = arith.constant 0 : i32
      %dma_wait3A_208 = arith.constant 0 : i32
      %dma_wait3A_209 = tpu.memref_slice %arg2[%dma_wait3A_207, %dma_wait3A_208] : memref<10000x128xf32, #tpu.memory_space<hbm>> -> memref<10000x128xf32, #tpu.memory_space<hbm>>
      %dma_wait3A_210 = tpu.memref_slice %arg11[%select_n3A_194] : memref<4x!tpu.dma_semaphore, #tpu.memory_space<semaphore_mem>> -> memref<1x!tpu.dma_semaphore, #tpu.memory_space<semaphore_mem>>
      %dma_wait3A_211 = tpu.memref_squeeze %dma_wait3A_210 : memref<1x!tpu.dma_semaphore, #tpu.memory_space<semaphore_mem>> -> memref<!tpu.dma_semaphore, #tpu.memory_space<semaphore_mem>>
      tpu.wait_indirect_dma semaphore(%dma_wait3A_211 : memref<!tpu.dma_semaphore, #tpu.memory_space<semaphore_mem>>) src(%dma_wait3A_209 : memref<10000x128xf32, #tpu.memory_space<hbm>>) dst(%dma_wait3A_205 : memref<80x128xf32, #tpu.memory_space<vmem>>)
      %mul3A_212 = arith.constant 80 : i32
      %mul3A_213 = arith.muli %scan3A_178, %mul3A_212 : i32
      %dma_wait3A_214 = arith.constant 0 : i32
      %dma_wait3A_215 = arith.constant 0 : i32
      %dma_wait3A_216 = tpu.memref_slice %arg9[%select_n3A_194, %dma_wait3A_214, %dma_wait3A_215] : memref<4x80x128xf32, #tpu.memory_space<vmem>> -> memref<1x80x128xf32, #tpu.memory_space<vmem>>
      %dma_wait3A_217 = tpu.memref_squeeze %dma_wait3A_216 : memref<1x80x128xf32, #tpu.memory_space<vmem>> -> memref<80x128xf32, #tpu.memory_space<vmem>>
      %dma_wait3A_218 = tpu.memref_slice %arg7[%mul3A_213] : memref<10000xi32, #tpu.memory_space<vmem>> -> memref<80xi32, #tpu.memory_space<vmem>>
      %dma_wait3A_219 = arith.constant 0 : i32
      %dma_wait3A_220 = arith.constant 0 : i32
      %dma_wait3A_221 = tpu.memref_slice %arg2[%dma_wait3A_219, %dma_wait3A_220] : memref<10000x128xf32, #tpu.memory_space<hbm>> -> memref<10000x128xf32, #tpu.memory_space<hbm>>
      %dma_wait3A_222 = tpu.memref_slice %arg11[%select_n3A_194] : memref<4x!tpu.dma_semaphore, #tpu.memory_space<semaphore_mem>> -> memref<1x!tpu.dma_semaphore, #tpu.memory_space<semaphore_mem>>
      %dma_wait3A_223 = tpu.memref_squeeze %dma_wait3A_222 : memref<1x!tpu.dma_semaphore, #tpu.memory_space<semaphore_mem>> -> memref<!tpu.dma_semaphore, #tpu.memory_space<semaphore_mem>>
      tpu.wait_indirect_dma semaphore(%dma_wait3A_223 : memref<!tpu.dma_semaphore, #tpu.memory_space<semaphore_mem>>) src(%dma_wait3A_221 : memref<10000x128xf32, #tpu.memory_space<hbm>>) dst(%dma_wait3A_217 : memref<80x128xf32, #tpu.memory_space<vmem>>)
      %scan3A_224 = arith.constant 0 : i32
      %scan3A_225 = arith.constant 0 : i32
      %scan3A_226 = arith.constant 5 : i32
      %scan3A_227 = arith.addi %scan3A_225, %scan3A_226 : i32
      %scan3A_228 = arith.constant 1 : i32
      scf.for %scan3A_230 = %scan3A_225 to %scan3A_227 step %scan3A_228  : i32 {
        %broadcast_in_dim3A = arith.constant 0.000000e+00 : f32
        %broadcast_in_dim3A_231 = vector.broadcast %broadcast_in_dim3A : f32 to vector<16xf32>
        %scan3A_232 = arith.constant 0 : i32
        %scan3A_233 = arith.constant 16 : i32
        %scan3A_234 = arith.addi %scan3A_232, %scan3A_233 : i32
        %scan3A_235 = arith.constant 4 : i32
        %scan3A_236 = scf.for %scan3A_251 = %scan3A_232 to %scan3A_234 step %scan3A_235 iter_args(%scan3A_252 = %broadcast_in_dim3A_231) -> (vector<16xf32>)  : i32 {
          %mul3A_253 = arith.constant 16 : i32
          %mul3A_254 = arith.muli %scan3A_230, %mul3A_253 : i32
          %add3A_255 = arith.addi %mul3A_254, %scan3A_251 : i32
          %get3A = arith.index_cast %select_n3A_194 : i32 to index
          %get3A_256 = arith.index_cast %add3A_255 : i32 to index
          %get3A_257 = arith.constant 0 : index
          %get3A_258 = tpu.vector_load %arg8[%get3A, %get3A_256, %get3A_257] {strides = array<i32>} : memref<4x80x128xf32, #tpu.memory_space<vmem>>, vector<16xf32>,
          %get3A_259 = arith.index_cast %select_n3A_194 : i32 to index
          %get3A_260 = arith.index_cast %add3A_255 : i32 to index
          %get3A_261 = arith.constant 0 : index
          %get3A_262 = tpu.vector_load %arg9[%get3A_259, %get3A_260, %get3A_261] {strides = array<i32>} : memref<4x80x128xf32, #tpu.memory_space<vmem>>, vector<16xf32>,
          %mul3A_263 = arith.mulf %get3A_258, %get3A_262 : vector<16xf32>
          %get3A_264 = arith.index_cast %select_n3A_194 : i32 to index
          %get3A_265 = arith.index_cast %add3A_255 : i32 to index
          %get3A_266 = arith.constant 16 : index
          %get3A_267 = tpu.vector_load %arg8[%get3A_264, %get3A_265, %get3A_266] {strides = array<i32>} : memref<4x80x128xf32, #tpu.memory_space<vmem>>, vector<16xf32>,
          %get3A_268 = arith.index_cast %select_n3A_194 : i32 to index
          %get3A_269 = arith.index_cast %add3A_255 : i32 to index
          %get3A_270 = arith.constant 16 : index
          %get3A_271 = tpu.vector_load %arg9[%get3A_268, %get3A_269, %get3A_270] {strides = array<i32>} : memref<4x80x128xf32, #tpu.memory_space<vmem>>, vector<16xf32>,
          %mul3A_272 = arith.mulf %get3A_267, %get3A_271 : vector<16xf32>
          %add3A_273 = arith.addf %mul3A_263, %mul3A_272 : vector<16xf32>
          %get3A_274 = arith.index_cast %select_n3A_194 : i32 to index
          %get3A_275 = arith.index_cast %add3A_255 : i32 to index
          %get3A_276 = arith.constant 32 : index
          %get3A_277 = tpu.vector_load %arg8[%get3A_274, %get3A_275, %get3A_276] {strides = array<i32>} : memref<4x80x128xf32, #tpu.memory_space<vmem>>, vector<16xf32>,
          %get3A_278 = arith.index_cast %select_n3A_194 : i32 to index
          %get3A_279 = arith.index_cast %add3A_255 : i32 to index
          %get3A_280 = arith.constant 32 : index
          %get3A_281 = tpu.vector_load %arg9[%get3A_278, %get3A_279, %get3A_280] {strides = array<i32>} : memref<4x80x128xf32, #tpu.memory_space<vmem>>, vector<16xf32>,
          %mul3A_282 = arith.mulf %get3A_277, %get3A_281 : vector<16xf32>
          %add3A_283 = arith.addf %add3A_273, %mul3A_282 : vector<16xf32>
          %get3A_284 = arith.index_cast %select_n3A_194 : i32 to index
          %get3A_285 = arith.index_cast %add3A_255 : i32 to index
          %get3A_286 = arith.constant 48 : index
          %get3A_287 = tpu.vector_load %arg8[%get3A_284, %get3A_285, %get3A_286] {strides = array<i32>} : memref<4x80x128xf32, #tpu.memory_space<vmem>>, vector<16xf32>,
          %get3A_288 = arith.index_cast %select_n3A_194 : i32 to index
          %get3A_289 = arith.index_cast %add3A_255 : i32 to index
          %get3A_290 = arith.constant 48 : index
          %get3A_291 = tpu.vector_load %arg9[%get3A_288, %get3A_289, %get3A_290] {strides = array<i32>} : memref<4x80x128xf32, #tpu.memory_space<vmem>>, vector<16xf32>,
          %mul3A_292 = arith.mulf %get3A_287, %get3A_291 : vector<16xf32>
          %add3A_293 = arith.addf %add3A_283, %mul3A_292 : vector<16xf32>
          %get3A_294 = arith.index_cast %select_n3A_194 : i32 to index
          %get3A_295 = arith.index_cast %add3A_255 : i32 to index
          %get3A_296 = arith.constant 64 : index
          %get3A_297 = tpu.vector_load %arg8[%get3A_294, %get3A_295, %get3A_296] {strides = array<i32>} : memref<4x80x128xf32, #tpu.memory_space<vmem>>, vector<16xf32>,
          %get3A_298 = arith.index_cast %select_n3A_194 : i32 to index
          %get3A_299 = arith.index_cast %add3A_255 : i32 to index
          %get3A_300 = arith.constant 64 : index
          %get3A_301 = tpu.vector_load %arg9[%get3A_298, %get3A_299, %get3A_300] {strides = array<i32>} : memref<4x80x128xf32, #tpu.memory_space<vmem>>, vector<16xf32>,
          %mul3A_302 = arith.mulf %get3A_297, %get3A_301 : vector<16xf32>
          %add3A_303 = arith.addf %add3A_293, %mul3A_302 : vector<16xf32>
          %get3A_304 = arith.index_cast %select_n3A_194 : i32 to index
          %get3A_305 = arith.index_cast %add3A_255 : i32 to index
          %get3A_306 = arith.constant 80 : index
          %get3A_307 = tpu.vector_load %arg8[%get3A_304, %get3A_305, %get3A_306] {strides = array<i32>} : memref<4x80x128xf32, #tpu.memory_space<vmem>>, vector<16xf32>,
          %get3A_308 = arith.index_cast %select_n3A_194 : i32 to index
          %get3A_309 = arith.index_cast %add3A_255 : i32 to index
          %get3A_310 = arith.constant 80 : index
          %get3A_311 = tpu.vector_load %arg9[%get3A_308, %get3A_309, %get3A_310] {strides = array<i32>} : memref<4x80x128xf32, #tpu.memory_space<vmem>>, vector<16xf32>,
          %mul3A_312 = arith.mulf %get3A_307, %get3A_311 : vector<16xf32>
          %add3A_313 = arith.addf %add3A_303, %mul3A_312 : vector<16xf32>
          %get3A_314 = arith.index_cast %select_n3A_194 : i32 to index
          %get3A_315 = arith.index_cast %add3A_255 : i32 to index
          %get3A_316 = arith.constant 96 : index
          %get3A_317 = tpu.vector_load %arg8[%get3A_314, %get3A_315, %get3A_316] {strides = array<i32>} : memref<4x80x128xf32, #tpu.memory_space<vmem>>, vector<16xf32>,
          %get3A_318 = arith.index_cast %select_n3A_194 : i32 to index
          %get3A_319 = arith.index_cast %add3A_255 : i32 to index
          %get3A_320 = arith.constant 96 : index
          %get3A_321 = tpu.vector_load %arg9[%get3A_318, %get3A_319, %get3A_320] {strides = array<i32>} : memref<4x80x128xf32, #tpu.memory_space<vmem>>, vector<16xf32>,
          %mul3A_322 = arith.mulf %get3A_317, %get3A_321 : vector<16xf32>
          %add3A_323 = arith.addf %add3A_313, %mul3A_322 : vector<16xf32>
          %get3A_324 = arith.index_cast %select_n3A_194 : i32 to index
          %get3A_325 = arith.index_cast %add3A_255 : i32 to index
          %get3A_326 = arith.constant 112 : index
          %get3A_327 = tpu.vector_load %arg8[%get3A_324, %get3A_325, %get3A_326] {strides = array<i32>} : memref<4x80x128xf32, #tpu.memory_space<vmem>>, vector<16xf32>,
          %get3A_328 = arith.index_cast %select_n3A_194 : i32 to index
          %get3A_329 = arith.index_cast %add3A_255 : i32 to index
          %get3A_330 = arith.constant 112 : index
          %get3A_331 = tpu.vector_load %arg9[%get3A_328, %get3A_329, %get3A_330] {strides = array<i32>} : memref<4x80x128xf32, #tpu.memory_space<vmem>>, vector<16xf32>,
          %mul3A_332 = arith.mulf %get3A_327, %get3A_331 : vector<16xf32>
          %add3A_333 = arith.addf %add3A_323, %mul3A_332 : vector<16xf32>
          %broadcast_in_dim3A_334 = vector.shape_cast %select_n3A_97 : vector<16xi32> to vector<16x1xi32>
          %gather3A = vector.shape_cast %broadcast_in_dim3A_334 : vector<16x1xi32> to vector<16xi32>
          %gather3A_335 = tpu.dynamic_gather %add3A_333[%gather3A] in [0] : vector<16xf32>, vector<16xi32> -> vector<16xf32>
          %add3A_336 = arith.addf %add3A_333, %gather3A_335 : vector<16xf32>
          %broadcast_in_dim3A_337 = vector.shape_cast %select_n3A_122 : vector<16xi32> to vector<16x1xi32>
          %gather3A_338 = vector.shape_cast %broadcast_in_dim3A_337 : vector<16x1xi32> to vector<16xi32>
          %gather3A_339 = tpu.dynamic_gather %add3A_336[%gather3A_338] in [0] : vector<16xf32>, vector<16xi32> -> vector<16xf32>
          %add3A_340 = arith.addf %add3A_336, %gather3A_339 : vector<16xf32>
          %broadcast_in_dim3A_341 = vector.shape_cast %select_n3A_147 : vector<16xi32> to vector<16x1xi32>
          %gather3A_342 = vector.shape_cast %broadcast_in_dim3A_341 : vector<16x1xi32> to vector<16xi32>
          %gather3A_343 = tpu.dynamic_gather %add3A_340[%gather3A_342] in [0] : vector<16xf32>, vector<16xi32> -> vector<16xf32>
          %add3A_344 = arith.addf %add3A_340, %gather3A_343 : vector<16xf32>
          %broadcast_in_dim3A_345 = vector.shape_cast %select_n3A_172 : vector<16xi32> to vector<16x1xi32>
          %gather3A_346 = vector.shape_cast %broadcast_in_dim3A_345 : vector<16x1xi32> to vector<16xi32>
          %gather3A_347 = tpu.dynamic_gather %add3A_344[%gather3A_346] in [0] : vector<16xf32>, vector<16xi32> -> vector<16xf32>
          %add3A_348 = arith.addf %add3A_344, %gather3A_347 : vector<16xf32>
          %eq3A_349 = vector.broadcast %scan3A_251 : i32 to vector<16xi32>
          %eq3A_350 = arith.cmpi eq, %iota3A, %eq3A_349 : vector<16xi32>
          %select_n3A_351 = arith.select %eq3A_350, %add3A_348, %scan3A_252 : vector<16xi1>, vector<16xf32>
          %scan3A_352 = arith.constant 1 : i32
          %scan3A_353 = arith.addi %scan3A_251, %scan3A_352 : i32
          %mul3A_354 = arith.constant 16 : i32
          %mul3A_355 = arith.muli %scan3A_230, %mul3A_354 : i32
          %add3A_356 = arith.addi %mul3A_355, %scan3A_353 : i32
          %get3A_357 = arith.index_cast %select_n3A_194 : i32 to index
          %get3A_358 = arith.index_cast %add3A_356 : i32 to index
          %get3A_359 = arith.constant 0 : index
          %get3A_360 = tpu.vector_load %arg8[%get3A_357, %get3A_358, %get3A_359] {strides = array<i32>} : memref<4x80x128xf32, #tpu.memory_space<vmem>>, vector<16xf32>,
          %get3A_361 = arith.index_cast %select_n3A_194 : i32 to index
          %get3A_362 = arith.index_cast %add3A_356 : i32 to index
          %get3A_363 = arith.constant 0 : index
          %get3A_364 = tpu.vector_load %arg9[%get3A_361, %get3A_362, %get3A_363] {strides = array<i32>} : memref<4x80x128xf32, #tpu.memory_space<vmem>>, vector<16xf32>,
          %mul3A_365 = arith.mulf %get3A_360, %get3A_364 : vector<16xf32>
          %get3A_366 = arith.index_cast %select_n3A_194 : i32 to index
          %get3A_367 = arith.index_cast %add3A_356 : i32 to index
          %get3A_368 = arith.constant 16 : index
          %get3A_369 = tpu.vector_load %arg8[%get3A_366, %get3A_367, %get3A_368] {strides = array<i32>} : memref<4x80x128xf32, #tpu.memory_space<vmem>>, vector<16xf32>,
          %get3A_370 = arith.index_cast %select_n3A_194 : i32 to index
          %get3A_371 = arith.index_cast %add3A_356 : i32 to index
          %get3A_372 = arith.constant 16 : index
          %get3A_373 = tpu.vector_load %arg9[%get3A_370, %get3A_371, %get3A_372] {strides = array<i32>} : memref<4x80x128xf32, #tpu.memory_space<vmem>>, vector<16xf32>,
          %mul3A_374 = arith.mulf %get3A_369, %get3A_373 : vector<16xf32>
          %add3A_375 = arith.addf %mul3A_365, %mul3A_374 : vector<16xf32>
          %get3A_376 = arith.index_cast %select_n3A_194 : i32 to index
          %get3A_377 = arith.index_cast %add3A_356 : i32 to index
          %get3A_378 = arith.constant 32 : index
          %get3A_379 = tpu.vector_load %arg8[%get3A_376, %get3A_377, %get3A_378] {strides = array<i32>} : memref<4x80x128xf32, #tpu.memory_space<vmem>>, vector<16xf32>,
          %get3A_380 = arith.index_cast %select_n3A_194 : i32 to index
          %get3A_381 = arith.index_cast %add3A_356 : i32 to index
          %get3A_382 = arith.constant 32 : index
          %get3A_383 = tpu.vector_load %arg9[%get3A_380, %get3A_381, %get3A_382] {strides = array<i32>} : memref<4x80x128xf32, #tpu.memory_space<vmem>>, vector<16xf32>,
          %mul3A_384 = arith.mulf %get3A_379, %get3A_383 : vector<16xf32>
          %add3A_385 = arith.addf %add3A_375, %mul3A_384 : vector<16xf32>
          %get3A_386 = arith.index_cast %select_n3A_194 : i32 to index
          %get3A_387 = arith.index_cast %add3A_356 : i32 to index
          %get3A_388 = arith.constant 48 : index
          %get3A_389 = tpu.vector_load %arg8[%get3A_386, %get3A_387, %get3A_388] {strides = array<i32>} : memref<4x80x128xf32, #tpu.memory_space<vmem>>, vector<16xf32>,
          %get3A_390 = arith.index_cast %select_n3A_194 : i32 to index
          %get3A_391 = arith.index_cast %add3A_356 : i32 to index
          %get3A_392 = arith.constant 48 : index
          %get3A_393 = tpu.vector_load %arg9[%get3A_390, %get3A_391, %get3A_392] {strides = array<i32>} : memref<4x80x128xf32, #tpu.memory_space<vmem>>, vector<16xf32>,
          %mul3A_394 = arith.mulf %get3A_389, %get3A_393 : vector<16xf32>
          %add3A_395 = arith.addf %add3A_385, %mul3A_394 : vector<16xf32>
          %get3A_396 = arith.index_cast %select_n3A_194 : i32 to index
          %get3A_397 = arith.index_cast %add3A_356 : i32 to index
          %get3A_398 = arith.constant 64 : index
          %get3A_399 = tpu.vector_load %arg8[%get3A_396, %get3A_397, %get3A_398] {strides = array<i32>} : memref<4x80x128xf32, #tpu.memory_space<vmem>>, vector<16xf32>,
          %get3A_400 = arith.index_cast %select_n3A_194 : i32 to index
          %get3A_401 = arith.index_cast %add3A_356 : i32 to index
          %get3A_402 = arith.constant 64 : index
          %get3A_403 = tpu.vector_load %arg9[%get3A_400, %get3A_401, %get3A_402] {strides = array<i32>} : memref<4x80x128xf32, #tpu.memory_space<vmem>>, vector<16xf32>,
          %mul3A_404 = arith.mulf %get3A_399, %get3A_403 : vector<16xf32>
          %add3A_405 = arith.addf %add3A_395, %mul3A_404 : vector<16xf32>
          %get3A_406 = arith.index_cast %select_n3A_194 : i32 to index
          %get3A_407 = arith.index_cast %add3A_356 : i32 to index
          %get3A_408 = arith.constant 80 : index
          %get3A_409 = tpu.vector_load %arg8[%get3A_406, %get3A_407, %get3A_408] {strides = array<i32>} : memref<4x80x128xf32, #tpu.memory_space<vmem>>, vector<16xf32>,
          %get3A_410 = arith.index_cast %select_n3A_194 : i32 to index
          %get3A_411 = arith.index_cast %add3A_356 : i32 to index
          %get3A_412 = arith.constant 80 : index
          %get3A_413 = tpu.vector_load %arg9[%get3A_410, %get3A_411, %get3A_412] {strides = array<i32>} : memref<4x80x128xf32, #tpu.memory_space<vmem>>, vector<16xf32>,
          %mul3A_414 = arith.mulf %get3A_409, %get3A_413 : vector<16xf32>
          %add3A_415 = arith.addf %add3A_405, %mul3A_414 : vector<16xf32>
          %get3A_416 = arith.index_cast %select_n3A_194 : i32 to index
          %get3A_417 = arith.index_cast %add3A_356 : i32 to index
          %get3A_418 = arith.constant 96 : index
          %get3A_419 = tpu.vector_load %arg8[%get3A_416, %get3A_417, %get3A_418] {strides = array<i32>} : memref<4x80x128xf32, #tpu.memory_space<vmem>>, vector<16xf32>,
          %get3A_420 = arith.index_cast %select_n3A_194 : i32 to index
          %get3A_421 = arith.index_cast %add3A_356 : i32 to index
          %get3A_422 = arith.constant 96 : index
          %get3A_423 = tpu.vector_load %arg9[%get3A_420, %get3A_421, %get3A_422] {strides = array<i32>} : memref<4x80x128xf32, #tpu.memory_space<vmem>>, vector<16xf32>,
          %mul3A_424 = arith.mulf %get3A_419, %get3A_423 : vector<16xf32>
          %add3A_425 = arith.addf %add3A_415, %mul3A_424 : vector<16xf32>
          %get3A_426 = arith.index_cast %select_n3A_194 : i32 to index
          %get3A_427 = arith.index_cast %add3A_356 : i32 to index
          %get3A_428 = arith.constant 112 : index
          %get3A_429 = tpu.vector_load %arg8[%get3A_426, %get3A_427, %get3A_428] {strides = array<i32>} : memref<4x80x128xf32, #tpu.memory_space<vmem>>, vector<16xf32>,
          %get3A_430 = arith.index_cast %select_n3A_194 : i32 to index
          %get3A_431 = arith.index_cast %add3A_356 : i32 to index
          %get3A_432 = arith.constant 112 : index
          %get3A_433 = tpu.vector_load %arg9[%get3A_430, %get3A_431, %get3A_432] {strides = array<i32>} : memref<4x80x128xf32, #tpu.memory_space<vmem>>, vector<16xf32>,
          %mul3A_434 = arith.mulf %get3A_429, %get3A_433 : vector<16xf32>
          %add3A_435 = arith.addf %add3A_425, %mul3A_434 : vector<16xf32>
          %broadcast_in_dim3A_436 = vector.shape_cast %select_n3A_97 : vector<16xi32> to vector<16x1xi32>
          %gather3A_437 = vector.shape_cast %broadcast_in_dim3A_436 : vector<16x1xi32> to vector<16xi32>
          %gather3A_438 = tpu.dynamic_gather %add3A_435[%gather3A_437] in [0] : vector<16xf32>, vector<16xi32> -> vector<16xf32>
          %add3A_439 = arith.addf %add3A_435, %gather3A_438 : vector<16xf32>
          %broadcast_in_dim3A_440 = vector.shape_cast %select_n3A_122 : vector<16xi32> to vector<16x1xi32>
          %gather3A_441 = vector.shape_cast %broadcast_in_dim3A_440 : vector<16x1xi32> to vector<16xi32>
          %gather3A_442 = tpu.dynamic_gather %add3A_439[%gather3A_441] in [0] : vector<16xf32>, vector<16xi32> -> vector<16xf32>
          %add3A_443 = arith.addf %add3A_439, %gather3A_442 : vector<16xf32>
          %broadcast_in_dim3A_444 = vector.shape_cast %select_n3A_147 : vector<16xi32> to vector<16x1xi32>
          %gather3A_445 = vector.shape_cast %broadcast_in_dim3A_444 : vector<16x1xi32> to vector<16xi32>
          %gather3A_446 = tpu.dynamic_gather %add3A_443[%gather3A_445] in [0] : vector<16xf32>, vector<16xi32> -> vector<16xf32>
          %add3A_447 = arith.addf %add3A_443, %gather3A_446 : vector<16xf32>
          %broadcast_in_dim3A_448 = vector.shape_cast %select_n3A_172 : vector<16xi32> to vector<16x1xi32>
          %gather3A_449 = vector.shape_cast %broadcast_in_dim3A_448 : vector<16x1xi32> to vector<16xi32>
          %gather3A_450 = tpu.dynamic_gather %add3A_447[%gather3A_449] in [0] : vector<16xf32>, vector<16xi32> -> vector<16xf32>
          %add3A_451 = arith.addf %add3A_447, %gather3A_450 : vector<16xf32>
          %eq3A_452 = vector.broadcast %scan3A_353 : i32 to vector<16xi32>
          %eq3A_453 = arith.cmpi eq, %iota3A, %eq3A_452 : vector<16xi32>
          %select_n3A_454 = arith.select %eq3A_453, %add3A_451, %select_n3A_351 : vector<16xi1>, vector<16xf32>
          %scan3A_455 = arith.constant 2 : i32
          %scan3A_456 = arith.addi %scan3A_251, %scan3A_455 : i32
          %mul3A_457 = arith.constant 16 : i32
          %mul3A_458 = arith.muli %scan3A_230, %mul3A_457 : i32
          %add3A_459 = arith.addi %mul3A_458, %scan3A_456 : i32
          %get3A_460 = arith.index_cast %select_n3A_194 : i32 to index
          %get3A_461 = arith.index_cast %add3A_459 : i32 to index
          %get3A_462 = arith.constant 0 : index
          %get3A_463 = tpu.vector_load %arg8[%get3A_460, %get3A_461, %get3A_462] {strides = array<i32>} : memref<4x80x128xf32, #tpu.memory_space<vmem>>, vector<16xf32>,
          %get3A_464 = arith.index_cast %select_n3A_194 : i32 to index
          %get3A_465 = arith.index_cast %add3A_459 : i32 to index
          %get3A_466 = arith.constant 0 : index
          %get3A_467 = tpu.vector_load %arg9[%get3A_464, %get3A_465, %get3A_466] {strides = array<i32>} : memref<4x80x128xf32, #tpu.memory_space<vmem>>, vector<16xf32>,
          %mul3A_468 = arith.mulf %get3A_463, %get3A_467 : vector<16xf32>
          %get3A_469 = arith.index_cast %select_n3A_194 : i32 to index
          %get3A_470 = arith.index_cast %add3A_459 : i32 to index
          %get3A_471 = arith.constant 16 : index
          %get3A_472 = tpu.vector_load %arg8[%get3A_469, %get3A_470, %get3A_471] {strides = array<i32>} : memref<4x80x128xf32, #tpu.memory_space<vmem>>, vector<16xf32>,
          %get3A_473 = arith.index_cast %select_n3A_194 : i32 to index
          %get3A_474 = arith.index_cast %add3A_459 : i32 to index
          %get3A_475 = arith.constant 16 : index
          %get3A_476 = tpu.vector_load %arg9[%get3A_473, %get3A_474, %get3A_475] {strides = array<i32>} : memref<4x80x128xf32, #tpu.memory_space<vmem>>, vector<16xf32>,
          %mul3A_477 = arith.mulf %get3A_472, %get3A_476 : vector<16xf32>
          %add3A_478 = arith.addf %mul3A_468, %mul3A_477 : vector<16xf32>
          %get3A_479 = arith.index_cast %select_n3A_194 : i32 to index
          %get3A_480 = arith.index_cast %add3A_459 : i32 to index
          %get3A_481 = arith.constant 32 : index
          %get3A_482 = tpu.vector_load %arg8[%get3A_479, %get3A_480, %get3A_481] {strides = array<i32>} : memref<4x80x128xf32, #tpu.memory_space<vmem>>, vector<16xf32>,
          %get3A_483 = arith.index_cast %select_n3A_194 : i32 to index
          %get3A_484 = arith.index_cast %add3A_459 : i32 to index
          %get3A_485 = arith.constant 32 : index
          %get3A_486 = tpu.vector_load %arg9[%get3A_483, %get3A_484, %get3A_485] {strides = array<i32>} : memref<4x80x128xf32, #tpu.memory_space<vmem>>, vector<16xf32>,
          %mul3A_487 = arith.mulf %get3A_482, %get3A_486 : vector<16xf32>
          %add3A_488 = arith.addf %add3A_478, %mul3A_487 : vector<16xf32>
          %get3A_489 = arith.index_cast %select_n3A_194 : i32 to index
          %get3A_490 = arith.index_cast %add3A_459 : i32 to index
          %get3A_491 = arith.constant 48 : index
          %get3A_492 = tpu.vector_load %arg8[%get3A_489, %get3A_490, %get3A_491] {strides = array<i32>} : memref<4x80x128xf32, #tpu.memory_space<vmem>>, vector<16xf32>,
          %get3A_493 = arith.index_cast %select_n3A_194 : i32 to index
          %get3A_494 = arith.index_cast %add3A_459 : i32 to index
          %get3A_495 = arith.constant 48 : index
          %get3A_496 = tpu.vector_load %arg9[%get3A_493, %get3A_494, %get3A_495] {strides = array<i32>} : memref<4x80x128xf32, #tpu.memory_space<vmem>>, vector<16xf32>,
          %mul3A_497 = arith.mulf %get3A_492, %get3A_496 : vector<16xf32>
          %add3A_498 = arith.addf %add3A_488, %mul3A_497 : vector<16xf32>
          %get3A_499 = arith.index_cast %select_n3A_194 : i32 to index
          %get3A_500 = arith.index_cast %add3A_459 : i32 to index
          %get3A_501 = arith.constant 64 : index
          %get3A_502 = tpu.vector_load %arg8[%get3A_499, %get3A_500, %get3A_501] {strides = array<i32>} : memref<4x80x128xf32, #tpu.memory_space<vmem>>, vector<16xf32>,
          %get3A_503 = arith.index_cast %select_n3A_194 : i32 to index
          %get3A_504 = arith.index_cast %add3A_459 : i32 to index
          %get3A_505 = arith.constant 64 : index
          %get3A_506 = tpu.vector_load %arg9[%get3A_503, %get3A_504, %get3A_505] {strides = array<i32>} : memref<4x80x128xf32, #tpu.memory_space<vmem>>, vector<16xf32>,
          %mul3A_507 = arith.mulf %get3A_502, %get3A_506 : vector<16xf32>
          %add3A_508 = arith.addf %add3A_498, %mul3A_507 : vector<16xf32>
          %get3A_509 = arith.index_cast %select_n3A_194 : i32 to index
          %get3A_510 = arith.index_cast %add3A_459 : i32 to index
          %get3A_511 = arith.constant 80 : index
          %get3A_512 = tpu.vector_load %arg8[%get3A_509, %get3A_510, %get3A_511] {strides = array<i32>} : memref<4x80x128xf32, #tpu.memory_space<vmem>>, vector<16xf32>,
          %get3A_513 = arith.index_cast %select_n3A_194 : i32 to index
          %get3A_514 = arith.index_cast %add3A_459 : i32 to index
          %get3A_515 = arith.constant 80 : index
          %get3A_516 = tpu.vector_load %arg9[%get3A_513, %get3A_514, %get3A_515] {strides = array<i32>} : memref<4x80x128xf32, #tpu.memory_space<vmem>>, vector<16xf32>,
          %mul3A_517 = arith.mulf %get3A_512, %get3A_516 : vector<16xf32>
          %add3A_518 = arith.addf %add3A_508, %mul3A_517 : vector<16xf32>
          %get3A_519 = arith.index_cast %select_n3A_194 : i32 to index
          %get3A_520 = arith.index_cast %add3A_459 : i32 to index
          %get3A_521 = arith.constant 96 : index
          %get3A_522 = tpu.vector_load %arg8[%get3A_519, %get3A_520, %get3A_521] {strides = array<i32>} : memref<4x80x128xf32, #tpu.memory_space<vmem>>, vector<16xf32>,
          %get3A_523 = arith.index_cast %select_n3A_194 : i32 to index
          %get3A_524 = arith.index_cast %add3A_459 : i32 to index
          %get3A_525 = arith.constant 96 : index
          %get3A_526 = tpu.vector_load %arg9[%get3A_523, %get3A_524, %get3A_525] {strides = array<i32>} : memref<4x80x128xf32, #tpu.memory_space<vmem>>, vector<16xf32>,
          %mul3A_527 = arith.mulf %get3A_522, %get3A_526 : vector<16xf32>
          %add3A_528 = arith.addf %add3A_518, %mul3A_527 : vector<16xf32>
          %get3A_529 = arith.index_cast %select_n3A_194 : i32 to index
          %get3A_530 = arith.index_cast %add3A_459 : i32 to index
          %get3A_531 = arith.constant 112 : index
          %get3A_532 = tpu.vector_load %arg8[%get3A_529, %get3A_530, %get3A_531] {strides = array<i32>} : memref<4x80x128xf32, #tpu.memory_space<vmem>>, vector<16xf32>,
          %get3A_533 = arith.index_cast %select_n3A_194 : i32 to index
          %get3A_534 = arith.index_cast %add3A_459 : i32 to index
          %get3A_535 = arith.constant 112 : index
          %get3A_536 = tpu.vector_load %arg9[%get3A_533, %get3A_534, %get3A_535] {strides = array<i32>} : memref<4x80x128xf32, #tpu.memory_space<vmem>>, vector<16xf32>,
          %mul3A_537 = arith.mulf %get3A_532, %get3A_536 : vector<16xf32>
          %add3A_538 = arith.addf %add3A_528, %mul3A_537 : vector<16xf32>
          %broadcast_in_dim3A_539 = vector.shape_cast %select_n3A_97 : vector<16xi32> to vector<16x1xi32>
          %gather3A_540 = vector.shape_cast %broadcast_in_dim3A_539 : vector<16x1xi32> to vector<16xi32>
          %gather3A_541 = tpu.dynamic_gather %add3A_538[%gather3A_540] in [0] : vector<16xf32>, vector<16xi32> -> vector<16xf32>
          %add3A_542 = arith.addf %add3A_538, %gather3A_541 : vector<16xf32>
          %broadcast_in_dim3A_543 = vector.shape_cast %select_n3A_122 : vector<16xi32> to vector<16x1xi32>
          %gather3A_544 = vector.shape_cast %broadcast_in_dim3A_543 : vector<16x1xi32> to vector<16xi32>
          %gather3A_545 = tpu.dynamic_gather %add3A_542[%gather3A_544] in [0] : vector<16xf32>, vector<16xi32> -> vector<16xf32>
          %add3A_546 = arith.addf %add3A_542, %gather3A_545 : vector<16xf32>
          %broadcast_in_dim3A_547 = vector.shape_cast %select_n3A_147 : vector<16xi32> to vector<16x1xi32>
          %gather3A_548 = vector.shape_cast %broadcast_in_dim3A_547 : vector<16x1xi32> to vector<16xi32>
          %gather3A_549 = tpu.dynamic_gather %add3A_546[%gather3A_548] in [0] : vector<16xf32>, vector<16xi32> -> vector<16xf32>
          %add3A_550 = arith.addf %add3A_546, %gather3A_549 : vector<16xf32>
          %broadcast_in_dim3A_551 = vector.shape_cast %select_n3A_172 : vector<16xi32> to vector<16x1xi32>
          %gather3A_552 = vector.shape_cast %broadcast_in_dim3A_551 : vector<16x1xi32> to vector<16xi32>
          %gather3A_553 = tpu.dynamic_gather %add3A_550[%gather3A_552] in [0] : vector<16xf32>, vector<16xi32> -> vector<16xf32>
          %add3A_554 = arith.addf %add3A_550, %gather3A_553 : vector<16xf32>
          %eq3A_555 = vector.broadcast %scan3A_456 : i32 to vector<16xi32>
          %eq3A_556 = arith.cmpi eq, %iota3A, %eq3A_555 : vector<16xi32>
          %select_n3A_557 = arith.select %eq3A_556, %add3A_554, %select_n3A_454 : vector<16xi1>, vector<16xf32>
          %scan3A_558 = arith.constant 3 : i32
          %scan3A_559 = arith.addi %scan3A_251, %scan3A_558 : i32
          %mul3A_560 = arith.constant 16 : i32
          %mul3A_561 = arith.muli %scan3A_230, %mul3A_560 : i32
          %add3A_562 = arith.addi %mul3A_561, %scan3A_559 : i32
          %get3A_563 = arith.index_cast %select_n3A_194 : i32 to index
          %get3A_564 = arith.index_cast %add3A_562 : i32 to index
          %get3A_565 = arith.constant 0 : index
          %get3A_566 = tpu.vector_load %arg8[%get3A_563, %get3A_564, %get3A_565] {strides = array<i32>} : memref<4x80x128xf32, #tpu.memory_space<vmem>>, vector<16xf32>,
          %get3A_567 = arith.index_cast %select_n3A_194 : i32 to index
          %get3A_568 = arith.index_cast %add3A_562 : i32 to index
          %get3A_569 = arith.constant 0 : index
          %get3A_570 = tpu.vector_load %arg9[%get3A_567, %get3A_568, %get3A_569] {strides = array<i32>} : memref<4x80x128xf32, #tpu.memory_space<vmem>>, vector<16xf32>,
          %mul3A_571 = arith.mulf %get3A_566, %get3A_570 : vector<16xf32>
          %get3A_572 = arith.index_cast %select_n3A_194 : i32 to index
          %get3A_573 = arith.index_cast %add3A_562 : i32 to index
          %get3A_574 = arith.constant 16 : index
          %get3A_575 = tpu.vector_load %arg8[%get3A_572, %get3A_573, %get3A_574] {strides = array<i32>} : memref<4x80x128xf32, #tpu.memory_space<vmem>>, vector<16xf32>,
          %get3A_576 = arith.index_cast %select_n3A_194 : i32 to index
          %get3A_577 = arith.index_cast %add3A_562 : i32 to index
          %get3A_578 = arith.constant 16 : index
          %get3A_579 = tpu.vector_load %arg9[%get3A_576, %get3A_577, %get3A_578] {strides = array<i32>} : memref<4x80x128xf32, #tpu.memory_space<vmem>>, vector<16xf32>,
          %mul3A_580 = arith.mulf %get3A_575, %get3A_579 : vector<16xf32>
          %add3A_581 = arith.addf %mul3A_571, %mul3A_580 : vector<16xf32>
          %get3A_582 = arith.index_cast %select_n3A_194 : i32 to index
          %get3A_583 = arith.index_cast %add3A_562 : i32 to index
          %get3A_584 = arith.constant 32 : index
          %get3A_585 = tpu.vector_load %arg8[%get3A_582, %get3A_583, %get3A_584] {strides = array<i32>} : memref<4x80x128xf32, #tpu.memory_space<vmem>>, vector<16xf32>,
          %get3A_586 = arith.index_cast %select_n3A_194 : i32 to index
          %get3A_587 = arith.index_cast %add3A_562 : i32 to index
          %get3A_588 = arith.constant 32 : index
          %get3A_589 = tpu.vector_load %arg9[%get3A_586, %get3A_587, %get3A_588] {strides = array<i32>} : memref<4x80x128xf32, #tpu.memory_space<vmem>>, vector<16xf32>,
          %mul3A_590 = arith.mulf %get3A_585, %get3A_589 : vector<16xf32>
          %add3A_591 = arith.addf %add3A_581, %mul3A_590 : vector<16xf32>
          %get3A_592 = arith.index_cast %select_n3A_194 : i32 to index
          %get3A_593 = arith.index_cast %add3A_562 : i32 to index
          %get3A_594 = arith.constant 48 : index
          %get3A_595 = tpu.vector_load %arg8[%get3A_592, %get3A_593, %get3A_594] {strides = array<i32>} : memref<4x80x128xf32, #tpu.memory_space<vmem>>, vector<16xf32>,
          %get3A_596 = arith.index_cast %select_n3A_194 : i32 to index
          %get3A_597 = arith.index_cast %add3A_562 : i32 to index
          %get3A_598 = arith.constant 48 : index
          %get3A_599 = tpu.vector_load %arg9[%get3A_596, %get3A_597, %get3A_598] {strides = array<i32>} : memref<4x80x128xf32, #tpu.memory_space<vmem>>, vector<16xf32>,
          %mul3A_600 = arith.mulf %get3A_595, %get3A_599 : vector<16xf32>
          %add3A_601 = arith.addf %add3A_591, %mul3A_600 : vector<16xf32>
          %get3A_602 = arith.index_cast %select_n3A_194 : i32 to index
          %get3A_603 = arith.index_cast %add3A_562 : i32 to index
          %get3A_604 = arith.constant 64 : index
          %get3A_605 = tpu.vector_load %arg8[%get3A_602, %get3A_603, %get3A_604] {strides = array<i32>} : memref<4x80x128xf32, #tpu.memory_space<vmem>>, vector<16xf32>,
          %get3A_606 = arith.index_cast %select_n3A_194 : i32 to index
          %get3A_607 = arith.index_cast %add3A_562 : i32 to index
          %get3A_608 = arith.constant 64 : index
          %get3A_609 = tpu.vector_load %arg9[%get3A_606, %get3A_607, %get3A_608] {strides = array<i32>} : memref<4x80x128xf32, #tpu.memory_space<vmem>>, vector<16xf32>,
          %mul3A_610 = arith.mulf %get3A_605, %get3A_609 : vector<16xf32>
          %add3A_611 = arith.addf %add3A_601, %mul3A_610 : vector<16xf32>
          %get3A_612 = arith.index_cast %select_n3A_194 : i32 to index
          %get3A_613 = arith.index_cast %add3A_562 : i32 to index
          %get3A_614 = arith.constant 80 : index
          %get3A_615 = tpu.vector_load %arg8[%get3A_612, %get3A_613, %get3A_614] {strides = array<i32>} : memref<4x80x128xf32, #tpu.memory_space<vmem>>, vector<16xf32>,
          %get3A_616 = arith.index_cast %select_n3A_194 : i32 to index
          %get3A_617 = arith.index_cast %add3A_562 : i32 to index
          %get3A_618 = arith.constant 80 : index
          %get3A_619 = tpu.vector_load %arg9[%get3A_616, %get3A_617, %get3A_618] {strides = array<i32>} : memref<4x80x128xf32, #tpu.memory_space<vmem>>, vector<16xf32>,
          %mul3A_620 = arith.mulf %get3A_615, %get3A_619 : vector<16xf32>
          %add3A_621 = arith.addf %add3A_611, %mul3A_620 : vector<16xf32>
          %get3A_622 = arith.index_cast %select_n3A_194 : i32 to index
          %get3A_623 = arith.index_cast %add3A_562 : i32 to index
          %get3A_624 = arith.constant 96 : index
          %get3A_625 = tpu.vector_load %arg8[%get3A_622, %get3A_623, %get3A_624] {strides = array<i32>} : memref<4x80x128xf32, #tpu.memory_space<vmem>>, vector<16xf32>,
          %get3A_626 = arith.index_cast %select_n3A_194 : i32 to index
          %get3A_627 = arith.index_cast %add3A_562 : i32 to index
          %get3A_628 = arith.constant 96 : index
          %get3A_629 = tpu.vector_load %arg9[%get3A_626, %get3A_627, %get3A_628] {strides = array<i32>} : memref<4x80x128xf32, #tpu.memory_space<vmem>>, vector<16xf32>,
          %mul3A_630 = arith.mulf %get3A_625, %get3A_629 : vector<16xf32>
          %add3A_631 = arith.addf %add3A_621, %mul3A_630 : vector<16xf32>
          %get3A_632 = arith.index_cast %select_n3A_194 : i32 to index
          %get3A_633 = arith.index_cast %add3A_562 : i32 to index
          %get3A_634 = arith.constant 112 : index
          %get3A_635 = tpu.vector_load %arg8[%get3A_632, %get3A_633, %get3A_634] {strides = array<i32>} : memref<4x80x128xf32, #tpu.memory_space<vmem>>, vector<16xf32>,
          %get3A_636 = arith.index_cast %select_n3A_194 : i32 to index
          %get3A_637 = arith.index_cast %add3A_562 : i32 to index
          %get3A_638 = arith.constant 112 : index
          %get3A_639 = tpu.vector_load %arg9[%get3A_636, %get3A_637, %get3A_638] {strides = array<i32>} : memref<4x80x128xf32, #tpu.memory_space<vmem>>, vector<16xf32>,
          %mul3A_640 = arith.mulf %get3A_635, %get3A_639 : vector<16xf32>
          %add3A_641 = arith.addf %add3A_631, %mul3A_640 : vector<16xf32>
          %broadcast_in_dim3A_642 = vector.shape_cast %select_n3A_97 : vector<16xi32> to vector<16x1xi32>
          %gather3A_643 = vector.shape_cast %broadcast_in_dim3A_642 : vector<16x1xi32> to vector<16xi32>
          %gather3A_644 = tpu.dynamic_gather %add3A_641[%gather3A_643] in [0] : vector<16xf32>, vector<16xi32> -> vector<16xf32>
          %add3A_645 = arith.addf %add3A_641, %gather3A_644 : vector<16xf32>
          %broadcast_in_dim3A_646 = vector.shape_cast %select_n3A_122 : vector<16xi32> to vector<16x1xi32>
          %gather3A_647 = vector.shape_cast %broadcast_in_dim3A_646 : vector<16x1xi32> to vector<16xi32>
          %gather3A_648 = tpu.dynamic_gather %add3A_645[%gather3A_647] in [0] : vector<16xf32>, vector<16xi32> -> vector<16xf32>
          %add3A_649 = arith.addf %add3A_645, %gather3A_648 : vector<16xf32>
          %broadcast_in_dim3A_650 = vector.shape_cast %select_n3A_147 : vector<16xi32> to vector<16x1xi32>
          %gather3A_651 = vector.shape_cast %broadcast_in_dim3A_650 : vector<16x1xi32> to vector<16xi32>
          %gather3A_652 = tpu.dynamic_gather %add3A_649[%gather3A_651] in [0] : vector<16xf32>, vector<16xi32> -> vector<16xf32>
          %add3A_653 = arith.addf %add3A_649, %gather3A_652 : vector<16xf32>
          %broadcast_in_dim3A_654 = vector.shape_cast %select_n3A_172 : vector<16xi32> to vector<16x1xi32>
          %gather3A_655 = vector.shape_cast %broadcast_in_dim3A_654 : vector<16x1xi32> to vector<16xi32>
          %gather3A_656 = tpu.dynamic_gather %add3A_653[%gather3A_655] in [0] : vector<16xf32>, vector<16xi32> -> vector<16xf32>
          %add3A_657 = arith.addf %add3A_653, %gather3A_656 : vector<16xf32>
          %eq3A_658 = vector.broadcast %scan3A_559 : i32 to vector<16xi32>
          %eq3A_659 = arith.cmpi eq, %iota3A, %eq3A_658 : vector<16xi32>
          %select_n3A_660 = arith.select %eq3A_659, %add3A_657, %select_n3A_557 : vector<16xi1>, vector<16xf32>
          scf.yield %select_n3A_660 : vector<16xf32>
        }
        %scan3A_237 = arith.constant 16 : i32
        %neg3A = arith.constant 0.000000e+00 : f32
        %neg3A_238 = vector.broadcast %neg3A : f32 to vector<16xf32>
        %neg3A_239 = arith.subf %neg3A_238, %scan3A_236 : vector<16xf32>
        %exp3A = math.exp %neg3A_239 : vector<16xf32>
        %add3A_240 = arith.constant 1.000000e+00 : f32
        %add3A_241 = vector.broadcast %add3A_240 : f32 to vector<16xf32>
        %add3A_242 = arith.addf %add3A_241, %exp3A : vector<16xf32>
        %div3A = arith.constant 1.000000e+00 : f32
        %div3A_243 = vector.broadcast %div3A : f32 to vector<16xf32>
        %div3A_244 = arith.divf %div3A_243, %add3A_242 : vector<16xf32>
        %mul3A_245 = arith.constant 80 : i32
        %mul3A_246 = arith.muli %scan3A_178, %mul3A_245 : i32
        %mul3A_247 = arith.constant 16 : i32
        %mul3A_248 = arith.muli %scan3A_230, %mul3A_247 : i32
        %add3A_249 = arith.addi %mul3A_246, %mul3A_248 : i32
        %swap3A = arith.index_cast %add3A_249 : i32 to index
        %swap3A_250 = tpu.vector_load %arg10[%swap3A] {strides = array<i32>} : memref<10000xf32, #tpu.memory_space<vmem>>, vector<16xf32>,
        tpu.vector_store %arg10[%swap3A], %div3A_244 {strides = array<i32>} : memref<10000xf32, #tpu.memory_space<vmem>>, vector<16xf32>,
      }
      %scan3A_229 = arith.constant 5 : i32
    }
    %scan3A_177 = arith.constant 125 : i32
    "tpu.region"() ({
      %run_scoped3A = tpu.sem_alloc : memref<!tpu.dma_semaphore, #tpu.memory_space<semaphore_mem>>
      %dma_start3A_178 = tpu.memref_slice %arg5[%mul3A_2] : memref<320000xf32, #tpu.memory_space<hbm>> -> memref<10000xf32, #tpu.memory_space<hbm>>
      %dma_start3A_179 = tpu.memref_slice %arg5[%mul3A_2] : memref<320000xf32, #tpu.memory_space<hbm>> -> memref<10000xf32, #tpu.memory_space<hbm>>
      tpu.enqueue_dma source(%arg10 : memref<10000xf32, #tpu.memory_space<vmem>>) target(%dma_start3A_179 : memref<10000xf32, #tpu.memory_space<hbm>>) target_semaphore(%run_scoped3A : memref<!tpu.dma_semaphore, #tpu.memory_space<semaphore_mem>>)
      %dma_wait3A = tpu.memref_slice %arg5[%mul3A_2] : memref<320000xf32, #tpu.memory_space<hbm>> -> memref<10000xf32, #tpu.memory_space<hbm>>
      %dma_wait3A_180 = tpu.memref_slice %arg5[%mul3A_2] : memref<320000xf32, #tpu.memory_space<hbm>> -> memref<10000xf32, #tpu.memory_space<hbm>>
      tpu.wait_dma2 semaphore(%run_scoped3A : memref<!tpu.dma_semaphore, #tpu.memory_space<semaphore_mem>>) src(%arg10 : memref<10000xf32, #tpu.memory_space<vmem>>) dst(%dma_wait3A_180 : memref<10000xf32, #tpu.memory_space<hbm>>)
      tpu.yield
    }) : () -> ()
    return
  }
}

</mosaic_0001>

<sc_bundles>
// kernel: kernel.3.cloned.1.call-start
scs
__scs_entry_jumppad:
0x0: {  	(pc) =	sbr.rel $0x88, $3  }
0x1: {  	(tag) =	ssettag $0x0;
	lr =	simm.s32 $0x1  }
0x2: {  	[smem:$0x3F9F] =	sst lr;
	_ =	strace $0xD0000000  }
0x3: {  	_ = 	snop  }
0x4: {  	_ = 	snop  }
0x5: {  	_ = 	snop  }
0x6: {  	_ = 	snop  }
0x7: {  	_ = 	snop  }
__scs_overlays_trampoline_lowered:
0x8: {  	[smem:$0x3FAE] =	sst s0  }
0x9: {  	[smem:$0x3FAF] =	sst s1  }
0xa: {  	[smem:$0x3FB0] =	sst s2  }
0xb: {  	[smem:$0x3FB1] =	sst s3  }
0xc: {  	[smem:$0x3FB2] =	sst s4  }
0xd: {  	[smem:$0x3FB3] =	sst s5  }
0xe: {  	[smem:$0x3FB4] =	sst s6  }
0xf: {  	[smem:$0x3FB5] =	sst s7  }
0x10: {  	[smem:$0x3FB6] =	sst s8  }
0x11: {  	[smem:$0x3FB7] =	sst s9;
	s0 =	simm.s32 @!p0 $0x0  }
0x12: {  	s1 =	sld [smem:$0x3F9D];
	s0 =	simm.s32 @p0 $0x1  }
0x13: {  	[smem:$0x3FB8] =	sst s0;
	s0 =	simm.s32 @!p1 $0x0  }
0x14: {  	s2 =	sld [smem:$0x3F9C];
	s0 =	simm.s32 @p1 $0x1  }
0x15: {  	[smem:$0x3FB9] =	sst s0;
	s0 =	simm.s32 @!p2 $0x0  }
0x16: {  	s3 =	sld [smem:$0x3FDB];
	s0 =	simm.s32 @p2 $0x1  }
0x17: {  	s4 =	simm.s32 $0x1BF5;
	[smem:$0x3FBB] =	sst s0  }
0x18: {  	s0 =	sld [smem:$0x3F9E];
	_ =	swait.ge [sflag:s4], $0x0  }
0x19: {  	s7 =	sld [smem:$0x3F9F]  }
0x1a: {  	s8 =	sadd.s32 $0xFFFFE003, lr  }
0x1b: {  	s9 =	sadd.s32 $0xFFFFFEF7, lr;
	s5 =	simm.s32 $0xFFFFFFFF;
	p2 =	slt.u32 s8, $0xFFFFF086  }
0x1c: {  	p1 =	slt.u32 s9, $0xF7A;
	s5 =	simm.s32 @!p2 $0x0  }
0x1d: {  	s5 =	simm.s32 @p1 $0x1;
	p0 =	seq.s32 s7, s2  }
0x1e: {  	s7 =	smul.u32 @!p0 $0xF7A, s2;
	p2 =	seq.s32 @!p0 s5, $0x0  }
0x1f: {  	s9 =	smul.u32 $0xF7A, s1;
	s8 =	simm.s32 @!p0 $0x1BF5;
	p2 =	por !p2, p0  }
0x20: {  	[sflag:s8] =	ssyncset.s32 @!p0 $0xFFFFF086;
	s6 =	sadd.s32 @!p0 s3, s7;
	s7 =	simm.s32 @!p0 $0x108  }
0x21: {  	s3 =	sadd.s32 s3, s9;
	s6 =	sadd.s32 @!p0 $0x88, s6;
	s7 =	simm.s32 @p2 $0x1082  }
0x22: {  	[simem:s7], [sflag:s8] =	dma.local @!p0 [hbm:s6], $0xF7A  }
0x23: {  	s9 =	sor.u32 $0xD0000000, s2;
	s6 =	simm.s32 $0x108;
	_ =	swait.ge @!p0 [sflag:s8], $0x0  }
0x24: {  	s3 =	sadd.s32 $0x88, s3;
	s6 =	simm.s32 @!p1 $0x1082;
	[sflag:s4] =	ssyncset.s32 $0xFFFFF086  }
0x25: {  	[simem:s6], [sflag:s4] =	dma.local [hbm:s3], $0xF7A  }
0x26: {  	[smem:$0x3F9F] =	sst s1;
	(tag) =	ssettag s2;
	_ =	strace s9  }
0x27: {  	s1 =	sld [smem:$0x3FAF]  }
0x28: {  	s2 =	sld [smem:$0x3FB0]  }
0x29: {  	s4 =	sld [smem:$0x3FB2]  }
0x2a: {  	p0 =	seq.s32 s5, $0x0;
	s5 =	sld [smem:$0x3FB3]  }
0x2b: {  	s6 =	sld [smem:$0x3FB4]  }
0x2c: {  	s7 =	sld [smem:$0x3FB5]  }
0x2d: {  	s3 =	simm.s32 $0x108;
	s8 =	sld [smem:$0x3FB6]  }
0x2e: {  	s3 =	simm.s32 @!p0 $0x1082;
	s9 =	sld [smem:$0x3FB7]  }
0x2f: {  	lr =	sadd.s32 s0, s3;
	s0 =	sld [smem:$0x3FAE]  }
0x30: {  	s3 =	sld [smem:$0x3FB1]  }
0x31: {  	[smem:$0x3FBA] =	sst s10  }
0x32: {  	s10 =	sld [smem:$0x3FB8];
	_ =	sdelay $0x3  }
0x33: {  	p0 =	seq.s32 s10, $0x1;
	s10 =	sld [smem:$0x3FBA];
	_ =	sdelay $0x3  }
0x34: {  	[smem:$0x3FBA] =	sst s10  }
0x35: {  	s10 =	sld [smem:$0x3FB9];
	_ =	sdelay $0x3  }
0x36: {  	p1 =	seq.s32 s10, $0x1;
	s10 =	sld [smem:$0x3FBA];
	_ =	sdelay $0x3  }
0x37: {  	[smem:$0x3FBA] =	sst s10  }
0x38: {  	s10 =	sld [smem:$0x3FBB]  }
0x39: {  	_ = 	snop;
	(pc) =	sbr.ind lr, $3  }
0x3a: {  	_ = 	snop  }
0x3b: {  	_ = 	snop  }
0x3c: {  	p2 =	seq.s32 s10, $0x1;
	s10 =	sld [smem:$0x3FBA]  }
0x3d: {  	_ =	shalt  }
0x3e: {  	_ =	shalt  }
0x3f: {  	_ =	shalt  }
0x40: {  	_ =	shalt  }
0x41: {  	_ =	shalt  }
0x42: {  	_ =	shalt  }
0x43: {  	_ =	shalt  }
0x44: {  	_ =	shalt  }
0x45: {  	_ =	shalt  }
0x46: {  	_ =	shalt  }
0x47: {  	_ =	shalt  }
0x48: {  	_ =	shalt  }
0x49: {  	_ =	shalt  }
0x4a: {  	_ =	shalt  }
0x4b: {  	_ =	shalt  }
0x4c: {  	_ =	shalt  }
0x4d: {  	_ =	shalt  }
0x4e: {  	_ =	shalt  }
0x4f: {  	_ =	shalt  }
0x50: {  	_ =	shalt  }
0x51: {  	_ =	shalt  }
0x52: {  	_ =	shalt  }
0x53: {  	_ =	shalt  }
0x54: {  	_ =	shalt  }
0x55: {  	_ =	shalt  }
0x56: {  	_ =	shalt  }
0x57: {  	_ =	shalt  }
0x58: {  	_ =	shalt  }
0x59: {  	_ =	shalt  }
0x5a: {  	_ =	shalt  }
0x5b: {  	_ =	shalt  }
0x5c: {  	_ =	shalt  }
0x5d: {  	_ =	shalt  }
0x5e: {  	_ =	shalt  }
0x5f: {  	_ =	shalt  }
0x60: {  	_ =	shalt  }
0x61: {  	_ =	shalt  }
0x62: {  	_ =	shalt  }
0x63: {  	_ =	shalt  }
0x64: {  	_ =	shalt  }
0x65: {  	_ =	shalt  }
0x66: {  	_ =	shalt  }
0x67: {  	_ =	shalt  }
0x68: {  	_ =	shalt  }
0x69: {  	_ =	shalt  }
0x6a: {  	_ =	shalt  }
0x6b: {  	_ =	shalt  }
0x6c: {  	_ =	shalt  }
0x6d: {  	_ =	shalt  }
0x6e: {  	_ =	shalt  }
0x6f: {  	_ =	shalt  }
0x70: {  	_ =	shalt  }
0x71: {  	_ =	shalt  }
0x72: {  	_ =	shalt  }
0x73: {  	_ =	shalt  }
0x74: {  	_ =	shalt  }
0x75: {  	_ =	shalt  }
0x76: {  	_ =	shalt  }
0x77: {  	_ =	shalt  }
0x78: {  	_ =	shalt  }
0x79: {  	_ =	shalt  }
0x7a: {  	_ =	shalt  }
0x7b: {  	_ =	shalt  }
0x7c: {  	_ =	shalt  }
0x7d: {  	_ =	shalt  }
0x7e: {  	_ =	shalt  }
0x7f: {  	_ =	shalt  }
0x80: {  	_ =	shalt  }
0x81: {  	_ =	shalt  }
0x82: {  	_ =	shalt  }
0x83: {  	_ =	shalt  }
0x84: {  	_ =	shalt  }
0x85: {  	_ =	shalt  }
0x86: {  	_ =	shalt  }
0x87: {  	_ =	shalt  }
.Lfunc_end0:
.L_simem_size_0:
called_computation_lowered:
.L_overlay_start_0:
0x88: {  	s2 =	sld [smem:$0x3FD9]  }
0x89: {  	s3 =	sld [smem:$0x3FFE];
	_ =	sdelay $0x1  }
0x8a: {  	s1 =	srdreg.scid  }
0x8b: {  	s0 =	sand.u32 $0x1, s1  }
0x8c: {  	s17 =	sshll.u32 s0, $0xA;
	s2 =	sadd.s32 s3, s2  }
0x8d: {  	s2 =	sadd.s32 s2, s17  }
0x8e: {  	[smem:$0x3FC6] =	sst s2  }
0x8f: {  	_ = 	snop  }
0x90: {  	s2 =	sld [smem:$0x3FC9]  }
0x91: {  	s18 =	sld [smem:$0x3FD0];
	(tm) =	ssettm $0x1  }
0x92: {  	s4 =	sld [smem:$0x3FFB];
	_ =	sdelay $0x3  }
0x93: {  	_ =	strace s4  }
0x94: {  	s4 =	sld [smem:$0x3FFC];
	_ =	sdelay $0x3  }
0x95: {  	_ =	strace s4  }
0x96: {  	s4 =	sld [smem:$0x3FFD];
	_ =	sdelay $0x3  }
0x97: {  	_ =	strace s4  }
0x98: {  	_ =	strace $0x8FFFFFFF  }
0x99: {  	s19 =	sld [smem:$0x3FDB];
	_ =	sdelay $0x1  }
0x9a: {  	s5 =	simm.s32 $_scs_section_size  }
0x9b: {  	s6 =	simm.s32 $_size__tile_overlayer_lowered;
	s7 =	simm.s32 $_tile_overlayer_lowered  }
0x9c: {  	s22 =	simm.s32 $0x1BFF;
	s21 =	sshll.u32 s7, $0x1;
	s4 =	sadd.s32 s5, s19  }
0x9d: {  	s8 =	simm.s32 $0x0;
	s20 =	sshll.u32 s6, $0x1;
	s6 =	sadd.s32 s21, s4  }
0x9e: {  	[timem:s8], [sflag:s22] =	dma.local [hbm:s6], s20  }
0x9f: {  	_ =	swait.ge [sflag:s22], s20  }
0xa0: {  	s5 =	ssub.s32 $0x0, s20;
	[sflag:s22] =	ssyncset.done $0x0  }
0xa1: {  	[sflag:s22] =	ssyncadd.s32 s5;
	_ =	sdelay $0x1  }
0xa2: {  	s23 =	simm.s32 $0x1B8B  }
0xa3: {  	_ =	swait.ge [sflag:s23], $0x1  }
0xa4: {  	[sflag:s23] =	ssyncset.done $0x0  }
0xa5: {  	s25 =	simm.s32 $0x1B8E;
	s24 =	sld [smem:$0x3FFE];
	[sflag:s23] =	ssyncadd.s32 $0xFFFFFFFF  }
0xa6: {  	s26 =	simm.s32 $execute0_lowered;
	[smem:$0x3FD2] =	sst s25  }
0xa7: {  	s6 =	sshll.u32 s26, $0x1;
	_ =	strace $0x80000046;
	[dreg:$0x1] =	wrdreg $0xFFFFFFFF  }
0xa8: {  	s28 =	simm.s32 $_size_execute0_lowered;
	s4 =	sadd.s32 s4, s6;
	[dreg:$0x0] =	wrdreg $0x0  }
0xa9: {  	s6 =	sshll.u32 s28, $0x1;
	[dreg:$0x2] =	wrdreg s4  }
0xaa: {  	[dreg:$0x3] =	wrdreg s6  }
0xab: {  	[dreg:$0x4] =	wrdreg $0xC0  }
0xac: {  	_ =	task [dreg:s8], $0x5FFFF  }
0xad: {  	[dreg:$0x1] =	wrdreg $0xFFFFFFFF  }
0xae: {  	[dreg:$0x0] =	wrdreg $0x60  }
0xaf: {  	[dreg:$0x2] =	wrdreg s2  }
0xb0: {  	[dreg:$0x3] =	wrdreg s24  }
0xb1: {  	[dreg:$0x4] =	wrdreg s18  }
0xb2: {  	[dreg:$0x5] =	wrdreg $0x9  }
0xb3: {  	_ =	task.clear_ibuf [dreg:s8], $0x6FFFF;
	_ =	strace $0x90000046  }
0xb4: {  	s29 =	simm.s32 $0x9;
	_ =	strace $0x80000048  }
0xb5: {  	_ =	swait.ge [sflag:s29], $0x1  }
0xb6: {  	[sflag:s29] =	ssyncadd.s32 $0xFFFFFFFF  }
0xb7: {  	_ =	strace $0x90000048  }
0xb8: {  	_ =	sfence  }
0xb9: {  	s30 =	sld [smem:$0x0];
	_ =	sdelay $0x2  }
0xba: {  	s31 =	sshll.u32 s1, $0xD;
	s1 =	sshrl.u32 s1, $0x2  }
0xbb: {  	s3 =	sand.u32 $0x4000, s31;
	s1 =	sadd.s32 s1, s30  }
0xbc: {  	s0 =	sor.u32 s3, s0;
	s1 =	sshll.u32 s1, $0x11  }
0xbd: {  	s0 =	sor.u32 s1, s0  }
0xbe: {  	s0 =	sadd.s32 $0x8F2B, s0  }
0xbf: {  	[sflag:s0] =	ssyncadd.remote.s32 $0x1  }
0xc0: {  	_ =	sfence.sel $0xFFFF  }
0xc1: {  	[dreg:$0x0] =	wrdreg $0xFFFFFFFF;
	(pc) =	sbr.abs _section_cstart, $3  }
0xc2: {  	[dreg:$0x1] =	wrdreg $0xFFFFFFFF  }
0xc3: {  	_ =	task.clear_ibuf [dreg:s8], $0x2FFFF;
	_ =	strace $0x9FFFFFFF  }
0xc4: {  	(tm) =	ssettm $0x7FFFFFFF  }
0xc5: {  	_ =	shalt  }
tec
execute0_lowered:
.L_overlay_start_1:
0x0: {  	(tag) =	ssettag $0x1  }
0x1: {  	s1 =	rddreg [dreg:$0x0];
	v0 =	vimm.s32 $0xFEDCBA9  }
0x2: {  	s2 =	srdreg.scid;
	v1 =	vimm.s32 $0x87654321;
	v2 =	vimm.s32 $0x10FEDCBA;
	s4 =	rddreg [dreg:$0x1];
	v3 =	vimm.s32 $0x98765432  }
0x3: {  	s0 =	stileid.u32;
	s6 =	rddreg [dreg:$0x2];
	s3 =	simm.s32 $0x0;
	v4 =	vimm.s32 $0x3210FEDC;
	v5 =	vimm.s32 $0xBA987654;
	v6 =	vimm.s32 $0xFEDCBA98  }
0x4: {  	v7 =	vimm.s32 $0x76543210;
	s9 =	simm.s32 $0x2780;
	s10 =	simm.s32 $0x50;
	s11 =	simm.s32 $0x4F00;
	v0 =	vunpack.c.l.s4.s8 v0;
	v1 =	vunpack.c.l.s4.s8 v1  }
0x5: {  	s12 =	simm.s32 $0xEF00;
	s13 =	simm.s32 $0x7700;
	s14 =	simm.s32 $0x27D0;
	v2 =	vunpack.c.l.s4.s8 v2;
	v3 =	vunpack.c.l.s4.s8 v3;
	v4 =	vunpack.c.l.s4.s8 v4  }
0x6: {  	s15 =	simm.s32 $0x11700;
	s16 =	simm.s32 $0xA0;
	s17 =	simm.s32 $0x9F00;
	v5 =	vunpack.c.l.s4.s8 v5;
	v6 =	vunpack.c.l.s4.s8 v6;
	v0 =	vunpack.c.0.s8.s32 v0  }
0x7: {  	s18 =	simm.s32 $0x2820;
	s5 =	sand.u32 $0x1, s2;
	s31 =	sshll.u32 s0, $0x1;
	v1 =	vunpack.c.0.s8.s32 v1;
	v2 =	vunpack.c.0.s8.s32 v2;
	v3 =	vunpack.c.0.s8.s32 v3  }
0x8: {  	s19 =	simm.s32 $0x13F00;
	s20 =	simm.s32 $0x18F00;
	v7 =	vunpack.c.l.s4.s8 v7;
	s7 =	sor.u32 s5, s31;
	v4 =	vunpack.c.0.s8.s32 v4;
	v5 =	vunpack.c.0.s8.s32 v5  }
0x9: {  	[smem:$0x7FF] =	sst s3;
	s5 =	ssub.s32 $0x2, s5;
	s7 =	smul.u32 $0x4E2, s7;
	v0 =	vcombine.low v1, v0;
	v1 =	vcombine.low v3, v2;
	v2 =	vunpack.c.0.s8.s32 v6  }
0xa: {  	s21 =	simm.s32 $0x0;
	_ =	strace $0x80000047;
	s8 =	sshrl.u32 s5, $0x1;
	v3 =	vcombine.low v5, v4;
	v4 =	vunpack.c.0.s8.s32 v7  }
0xb: {  	s8 =	ssub.s32 s5, s8;
	s4 =	sadd.s32 s4, s7;
	s6 =	sadd.s32 s6, s7;
	v0 =	vand.u32 $0xF, v0;
	v1 =	vand.u32 $0xF, v1;
	v5 =	vand.u32 $0xF, v2  }
0xc: {  	s7 =	smax.u32 s8, $0x1;
	s8 =	simm.s32 $0x5;
	s5 =	sadd.s32 $0x9E00, s4;
	v2 =	vand.u32 $0xF, v3;
	v3 =	vcombine.low v5, v4;
	v4 =	vlaneseq.u32  }
.LBB2_1:
0xd: {  	[tilespmem:s3], [sflag:$0x5] =	stream.linear.gather [hbm4b:s5+s3], $0x2710, $0x38;
	[tilespmem:$0x1B680] =	vst v63  }
0xe: {  	_ =	swait.ge [sflag:s8], $0x2710  }
0xf: {  	[sflag:s8] =	ssyncset.done $0x0  }
0x10: {  	[sflag:s8] =	ssyncadd.s32 $0xFFFFD8F0  }
0x11: {  	[tilespmem:s9], [sflag:$0x5] =	stream.linear.gather [hbm4b:s4+s3], $0x2710, $0x38;
	[tilespmem:$0x1B680] =	vst v63  }
0x12: {  	_ =	swait.ge [sflag:s8], $0x2710  }
0x13: {  	[sflag:s8] =	ssyncset.done $0x0  }
0x14: {  	[sflag:s8] =	ssyncadd.s32 $0xFFFFD8F0  }
0x15: {  	[tilespmem:s11], [sflag:$0x1] =	stream.indirect.gather [hbm4b:s1+s10], $0x80, s3, s10, $0xb8;
	[tilespmem:$0x1B680] =	vst v63  }
0x16: {  	_ = 	snop  }
0x17: {  	[tilespmem:s12], [sflag:$0x1] =	stream.indirect.gather [hbm4b:s1+s10], $0x80, s9, s10, $0xb8;
	[tilespmem:$0x1B680] =	vst v63  }
0x18: {  	_ = 	snop  }
0x19: {  	[tilespmem:s13], [sflag:$0x2] =	stream.indirect.gather [hbm4b:s1+s10], $0x80, s10, s10, $0xb8;
	[tilespmem:$0x1B680] =	vst v63  }
0x1a: {  	_ = 	snop  }
0x1b: {  	[tilespmem:s15], [sflag:$0x2] =	stream.indirect.gather [hbm4b:s1+s10], $0x80, s14, s10, $0xb8;
	[tilespmem:$0x1B680] =	vst v63  }
0x1c: {  	_ = 	snop  }
0x1d: {  	[tilespmem:s17], [sflag:$0x3] =	stream.indirect.gather [hbm4b:s1+s10], $0x80, s16, s10, $0xb8;
	[tilespmem:$0x1B680] =	vst v63  }
0x1e: {  	s22 =	simm.s32 $0x0;
	s23 =	simm.s32 $0x0  }
0x1f: {  	[tilespmem:s19], [sflag:$0x3] =	stream.indirect.gather [hbm4b:s1+s10], $0x80, s18, s10, $0xb8;
	[tilespmem:$0x1B680] =	vst v63  }
.LBB2_2:
0x20: {  	p0 =	sgt.u32 s23, $0x79  }
0x21: {  	s24 =	sadd.s32 @!p0 $0x3, s23  }
0x22: {  	s25 =	sand.u32 @!p0 $0x3, s24  }
0x23: {  	s26 =	smul.u32 @!p0 $0x2800, s25  }
0x24: {  	s31 =	sand.u32 $0x3, s23;
	s24 =	smul.u32 @!p0 $0x50, s24  }
0x25: {  	s29 =	simm.s32 @!p0 $0x50;
	s25 =	sadd.s32 @!p0 $0x1, s25;
	s28 =	sadd.s32 @!p0 $0x4F00, s26  }
0x26: {  	[tilespmem:s28], [sflag:s25] =	stream.indirect.gather @!p0 [hbm4b:s1+s29], $0x80, s24, s29, $0xb8;
	[tilespmem:$0x1B680] =	vst v63  }
0x27: {  	s2 =	sadd.s32 $0x1, s31;
	s26 =	sadd.s32 @!p0 $0xEF00, s26;
	s24 =	sadd.s32 @!p0 $0x2780, s24  }
0x28: {  	[tilespmem:s26], [sflag:s25] =	stream.indirect.gather @!p0 [hbm4b:s1+s29], $0x80, s24, s29, $0xb8;
	[tilespmem:$0x1B680] =	vst v63  }
0x29: {  	_ =	swait.ge [sflag:s2], $0x2800  }
0x2a: {  	s0 =	sand.u32 $0x3, s22;
	s29 =	smul.u32 $0x140, s23;
	[sflag:s2] =	ssyncset.done $0x0  }
0x2b: {  	s24 =	smul.u32 $0xA000, s0;
	[sflag:s2] =	ssyncadd.s32 $0xFFFFD800  }
0x2c: {  	s26 =	simm.s32 $0x0;
	s25 =	sshra.s32 s29, $0x2;
	_ =	swait.ge [sflag:s2], $0x2800  }
0x2d: {  	s30 =	sshrl.u32 s24, $0x2;
	s31 =	sadd.s32 $0x18F00, s25;
	[sflag:s2] =	ssyncset.done $0x0  }
0x2e: {  	s24 =	sadd.s32 $0x5000, s30;
	s25 =	sadd.s32 $0xF000, s30;
	v5 =	vmov s31;
	[sflag:s2] =	ssyncadd.s32 $0xFFFFD800  }
.LBB2_3:
0x2f: {  	v6 =	vld [tilespmem:s24+$0xF0]  }
0x30: {  	v8 =	vld [tilespmem:s24+$0x70]  }
0x31: {  	v9 =	vld [tilespmem:s24+$0xFFFFFFF0]  }
0x32: {  	v16 =	vld [tilespmem:s25+$0xFFFFFFF0]  }
0x33: {  	v7 =	vld [tilespmem:s24+$0xE0]  }
0x34: {  	v18 =	vld [tilespmem:s24+$0xFFFFFF70]  }
0x35: {  	v22 =	vld [tilespmem:s25+$0xFFFFFF70]  }
0x36: {  	v10 =	vld [tilespmem:s24+$0x60]  }
0x37: {  	v23 =	vld [tilespmem:s24+$0xFFFFFFE0]  }
0x38: {  	v52 =	vld [tilespmem:s25+$0xFFFFFFE0]  }
0x39: {  	v11 =	vld [tilespmem:s24+$0xD0]  }
0x3a: {  	v53 =	vld [tilespmem:s24+$0xFFFFFF60]  }
0x3b: {  	v54 =	vld [tilespmem:s25+$0xFFFFFF60]  }
0x3c: {  	v12 =	vld [tilespmem:s24+$0x50]  }
0x3d: {  	v19 =	vld [tilespmem:s24+$0xFFFFFFD0]  }
0x3e: {  	v21 =	vld [tilespmem:s25+$0xFFFFFFD0]  }
0x3f: {  	v13 =	vld [tilespmem:s24+$0xC0]  }
0x40: {  	v24 =	vld [tilespmem:s24+$0xFFFFFF50]  }
0x41: {  	v26 =	vld [tilespmem:s25+$0xFFFFFF50]  }
0x42: {  	v14 =	vld [tilespmem:s24+$0x40]  }
0x43: {  	v27 =	vld [tilespmem:s24+$0xFFFFFFC0]  }
0x44: {  	v28 =	vld [tilespmem:s25+$0xFFFFFFC0]  }
0x45: {  	v15 =	vld [tilespmem:s24+$0xB0]  }
0x46: {  	v32 =	vld [tilespmem:s24+$0xFFFFFF40]  }
0x47: {  	v34 =	vld [tilespmem:s25+$0xFFFFFF40]  }
0x48: {  	v17 =	vld [tilespmem:s24+$0x30]  }
0x49: {  	v33 =	vld [tilespmem:s24+$0xFFFFFFB0]  }
0x4a: {  	v35 =	vld [tilespmem:s25+$0xFFFFFFB0]  }
0x4b: {  	v20 =	vld [tilespmem:s24+$0xA0]  }
0x4c: {  	v36 =	vld [tilespmem:s24+$0xFFFFFF30]  }
0x4d: {  	v39 =	vld [tilespmem:s25+$0xFFFFFF30]  }
0x4e: {  	v25 =	vld [tilespmem:s24+$0x20]  }
0x4f: {  	v37 =	vld [tilespmem:s24+$0xFFFFFFA0]  }
0x50: {  	v40 =	vld [tilespmem:s25+$0xFFFFFFA0]  }
0x51: {  	v29 =	vld [tilespmem:s24+$0x80]  }
0x52: {  	v30 =	vld [tilespmem:s25+$0x80]  }
0x53: {  	v31 =	vld [tilespmem:s24+$0x90]  }
0x54: {  	v43 =	vld [tilespmem:s24+$0xFFFFFF20]  }
0x55: {  	v45 =	vld [tilespmem:s25+$0xFFFFFF20]  }
0x56: {  	v38 =	vld [tilespmem:s24+$0x0]  }
0x57: {  	v41 =	vld [tilespmem:s25+$0x0]  }
0x58: {  	v42 =	vld [tilespmem:s24+$0x10]  }
0x59: {  	v44 =	vld [tilespmem:s24+$0xFFFFFF80]  }
0x5a: {  	v46 =	vld [tilespmem:s25+$0xFFFFFF80]  }
0x5b: {  	v47 =	vld [tilespmem:s24+$0xFFFFFF90]  }
0x5c: {  	v48 =	vld [tilespmem:s24+$0xFFFFFF00]  }
0x5d: {  	v49 =	vld [tilespmem:s25+$0xFFFFFF00]  }
0x5e: {  	v50 =	vld [tilespmem:s24+$0xFFFFFF10];
	s30 =	simm.s32 $0x4;
	v18 =	vmul.f32 v22, v18;
	v16 =	vmul.f32 v16, v9  }
0x5f: {  	v51 =	vld [tilespmem:s25+$0xFFFFFF10];
	s29 =	smov.u32 s25;
	s31 =	smov.u32 s24;
	s28 =	simm.s32 $0x0;
	v9 =	vimm.f32 $0.0e+00;
	v22 =	vmul.f32 v54, v53;
	v23 =	vmul.f32 v52, v23  }
.LBB2_4:
0x60: {  	p0 =	slt.u32 s30, $0xC;
	v24 =	vmul.f32 v26, v24;
	v26 =	vld [tilespmem:s29+$0xFFFFFF90];
	v19 =	vmul.f32 v21, v19  }
0x61: {  	v21 =	vmul.f32 v34, v32;
	v27 =	vmul.f32 v28, v27;
	v28 =	vld [tilespmem:s29+$0x10]  }
0x62: {  	v32 =	vmul.f32 v39, v36;
	v33 =	vmul.f32 v35, v33;
	v34 =	vld [tilespmem:s29+$0x90]  }
0x63: {  	v35 =	vmul.f32 v45, v43;
	v36 =	vmul.f32 v40, v37;
	v37 =	vld [tilespmem:s29+$0x20]  }
0x64: {  	v39 =	vmul.f32 v49, v48;
	v40 =	vmul.f32 v51, v50;
	v43 =	vld [tilespmem:s29+$0xA0]  }
0x65: {  	v44 =	vmul.f32 v46, v44;
	v26 =	vmul.f32 v26, v47;
	v45 =	vld [tilespmem:s29+$0x30]  }
0x66: {  	v38 =	vmul.f32 v41, v38;
	v39 =	vadd.f32 v40, v39;
	v28 =	vmul.f32 v28, v42;
	v40 =	vld [tilespmem:s29+$0xB0]  }
0x67: {  	v29 =	vmul.f32 v30, v29;
	v26 =	vadd.f32 v26, v44;
	v41 =	vld [tilespmem:s29+$0x40];
	v30 =	vmul.f32 v34, v31  }
0x68: {  	v31 =	vadd.f32 v35, v39;
	v28 =	vadd.f32 v28, v38;
	v25 =	vmul.f32 v37, v25;
	v34 =	vld [tilespmem:s29+$0xC0]  }
0x69: {  	v26 =	vadd.f32 v36, v26;
	v35 =	vld [tilespmem:s29+$0x50];
	v29 =	vadd.f32 v30, v29;
	v20 =	vmul.f32 v43, v20  }
0x6a: {  	v30 =	vadd.f32 v32, v31;
	v25 =	vadd.f32 v25, v28;
	v17 =	vmul.f32 v45, v17;
	v28 =	vld [tilespmem:s29+$0xD0]  }
0x6b: {  	v26 =	vadd.f32 v33, v26;
	v31 =	vld [tilespmem:s29+$0x60];
	v20 =	vadd.f32 v20, v29;
	v15 =	vmul.f32 v40, v15  }
0x6c: {  	v21 =	vadd.f32 v21, v30;
	v17 =	vadd.f32 v17, v25;
	v14 =	vmul.f32 v41, v14;
	v25 =	vld [tilespmem:s29+$0xE0]  }
0x6d: {  	v26 =	vadd.f32 v27, v26;
	v27 =	vld [tilespmem:s29+$0x70];
	v15 =	vadd.f32 v15, v20;
	v13 =	vmul.f32 v34, v13  }
0x6e: {  	s31 =	sadd.s32 $0x200, s31;
	v20 =	vadd.f32 v24, v21;
	v14 =	vadd.f32 v14, v17;
	v12 =	vmul.f32 v35, v12;
	v17 =	vld [tilespmem:s29+$0xF0]  }
0x6f: {  	v21 =	vld [tilespmem:s31+$0xF0];
	v19 =	vadd.f32 v19, v26;
	v13 =	vadd.f32 v13, v15;
	v11 =	vmul.f32 v28, v11  }
0x70: {  	v15 =	vld [tilespmem:s31+$0x70];
	v20 =	vadd.f32 v22, v20;
	v12 =	vadd.f32 v12, v14;
	v10 =	vmul.f32 v31, v10  }
0x71: {  	s29 =	sadd.s32 $0x200, s29;
	v22 =	vld [tilespmem:s31+$0xFFFFFFF0];
	v14 =	vadd.f32 v23, v19;
	v11 =	vadd.f32 v11, v13;
	v13 =	vmul.f32 v25, v7  }
0x72: {  	v23 =	vld [tilespmem:s29+$0xFFFFFFF0];
	v19 =	vadd.f32 v18, v20;
	v10 =	vadd.f32 v10, v12;
	v24 =	vmul.f32 v27, v8  }
0x73: {  	v7 =	vld [tilespmem:s31+$0xE0];
	v12 =	vadd.f32 v16, v14;
	v11 =	vadd.f32 v13, v11;
	v13 =	vmul.f32 v17, v6  }
0x74: {  	v16 =	vld [tilespmem:s31+$0xFFFFFF70];
	v14 =	vperm.xlane v19, v0;
	v17 =	vadd.f32 v24, v10;
	v6 =	vmov v21  }
0x75: {  	v18 =	vld [tilespmem:s29+$0xFFFFFF70];
	v20 =	vperm.xlane v12, v0;
	v13 =	vadd.f32 v13, v11;
	v8 =	vmov v15  }
0x76: {  	v10 =	vld [tilespmem:s31+$0x60];
	v14 =	vadd.f32 v19, v14;
	v11 =	vperm.xlane v17, v0  }
0x77: {  	v52 =	vld [tilespmem:s31+$0xFFFFFFE0];
	v12 =	vadd.f32 v12, v20;
	v15 =	vperm.xlane v13, v0  }
0x78: {  	v53 =	vld [tilespmem:s29+$0xFFFFFFE0];
	v19 =	vperm.xlane v14, v1;
	v17 =	vadd.f32 v17, v11  }
0x79: {  	v11 =	vld [tilespmem:s31+$0xD0];
	v20 =	vperm.xlane v12, v1;
	v13 =	vadd.f32 v13, v15  }
0x7a: {  	v54 =	vld [tilespmem:s31+$0xFFFFFF60];
	v14 =	vadd.f32 v14, v19;
	v15 =	vperm.xlane v17, v1  }
0x7b: {  	v55 =	vld [tilespmem:s29+$0xFFFFFF60];
	v20 =	vadd.f32 v12, v20;
	v21 =	vperm.xlane v13, v1  }
0x7c: {  	v12 =	vld [tilespmem:s31+$0x50];
	v24 =	vperm.xlane v14, v2;
	v15 =	vadd.f32 v17, v15  }
0x7d: {  	v19 =	vld [tilespmem:s31+$0xFFFFFFD0];
	v17 =	vperm.xlane v20, v2;
	v25 =	vadd.f32 v13, v21  }
0x7e: {  	v21 =	vld [tilespmem:s29+$0xFFFFFFD0];
	v27 =	vadd.f32 v14, v24;
	v14 =	vperm.xlane v15, v2  }
0x7f: {  	s2 =	sadd.s32 $0x3, s28;
	v28 =	vmov s28;
	v13 =	vld [tilespmem:s31+$0xC0];
	v17 =	vadd.f32 v20, v17;
	v20 =	vperm.xlane v25, v2  }
0x80: {  	s0 =	sadd.s32 $0x2, s28;
	v30 =	vmov s2;
	v24 =	vld [tilespmem:s31+$0xFFFFFF50];
	v29 =	vperm.xlane v27, v3;
	v15 =	vadd.f32 v15, v14  }
0x81: {  	v32 =	vmov s0;
	v26 =	vld [tilespmem:s29+$0xFFFFFF50];
	v31 =	vperm.xlane v17, v3;
	v20 =	vadd.f32 v25, v20  }
0x82: {  	s0 =	sadd.s32 $0x1, s28;
	s28 =	smov.u32 s30;
	vm0 =	veq.s32 v28, v4;
	v14 =	vld [tilespmem:s31+$0x40];
	v25 =	vadd.f32 v27, v29;
	v29 =	vperm.xlane v15, v3  }
0x83: {  	v27 =	vld [tilespmem:s31+$0xFFFFFFC0];
	v17 =	vadd.f32 v17, v31;
	v31 =	vmov s0;
	v33 =	vperm.xlane v20, v3  }
0x84: {  	v28 =	vld [tilespmem:s29+$0xFFFFFFC0];
	v9 =	vsel vm0, v25, v9;
	vm0 =	veq.s32 v31, v4;
	v25 =	vadd.f32 v15, v29  }
0x85: {  	v15 =	vld [tilespmem:s31+$0xB0];
	v9 =	vsel vm0, v17, v9;
	vm0 =	veq.s32 v32, v4;
	v17 =	vadd.f32 v20, v33  }
0x86: {  	v32 =	vld [tilespmem:s31+$0xFFFFFF40];
	v9 =	vsel vm0, v25, v9;
	vm0 =	veq.s32 v30, v4  }
0x87: {  	v34 =	vld [tilespmem:s29+$0xFFFFFF40];
	v9 =	vsel vm0, v17, v9  }
0x88: {  	v17 =	vld [tilespmem:s31+$0x30]  }
0x89: {  	v33 =	vld [tilespmem:s31+$0xFFFFFFB0]  }
0x8a: {  	v35 =	vld [tilespmem:s29+$0xFFFFFFB0]  }
0x8b: {  	v20 =	vld [tilespmem:s31+$0xA0]  }
0x8c: {  	v36 =	vld [tilespmem:s31+$0xFFFFFF30]  }
0x8d: {  	v39 =	vld [tilespmem:s29+$0xFFFFFF30]  }
0x8e: {  	v25 =	vld [tilespmem:s31+$0x20]  }
0x8f: {  	v37 =	vld [tilespmem:s31+$0xFFFFFFA0]  }
0x90: {  	v40 =	vld [tilespmem:s29+$0xFFFFFFA0]  }
0x91: {  	v29 =	vld [tilespmem:s31+$0x80]  }
0x92: {  	v30 =	vld [tilespmem:s29+$0x80]  }
0x93: {  	v31 =	vld [tilespmem:s31+$0x90]  }
0x94: {  	v43 =	vld [tilespmem:s31+$0xFFFFFF20]  }
0x95: {  	v45 =	vld [tilespmem:s29+$0xFFFFFF20]  }
0x96: {  	v38 =	vld [tilespmem:s31+$0x0]  }
0x97: {  	v41 =	vld [tilespmem:s29+$0x0]  }
0x98: {  	v42 =	vld [tilespmem:s31+$0x10]  }
0x99: {  	v44 =	vld [tilespmem:s31+$0xFFFFFF80]  }
0x9a: {  	v46 =	vld [tilespmem:s29+$0xFFFFFF80]  }
.Ltmp0:
0x9b: {  	v47 =	vld [tilespmem:s31+$0xFFFFFF90];
	(pc) =	sbr.rel @p0 .LBB2_4-.Ltmp0, $4  }
0x9c: {  	v48 =	vld [tilespmem:s31+$0xFFFFFF00]  }
0x9d: {  	v49 =	vld [tilespmem:s29+$0xFFFFFF00]  }
0x9e: {  	v18 =	vmul.f32 v18, v16;
	v16 =	vmul.f32 v23, v22;
	v50 =	vld [tilespmem:s31+$0xFFFFFF10]  }
0x9f: {  	s30 =	sadd.s32 $0x4, s30;
	v23 =	vmul.f32 v53, v52;
	v22 =	vmul.f32 v55, v54;
	v51 =	vld [tilespmem:s29+$0xFFFFFF10]  }
0xa0: {  	v24 =	vmul.f32 v26, v24;
	v59 =	vld [tilespmem:s29+$0xFFFFFF90];
	v19 =	vmul.f32 v21, v19  }
0xa1: {  	v21 =	vmul.f32 v34, v32;
	v27 =	vmul.f32 v28, v27;
	v60 =	vld [tilespmem:s29+$0x10]  }
0xa2: {  	v32 =	vmul.f32 v39, v36;
	v33 =	vmul.f32 v35, v33;
	v61 =	vld [tilespmem:s29+$0x90]  }
0xa3: {  	v62 =	vmul.f32 v45, v43;
	v63 =	vmul.f32 v40, v37;
	v52 =	vld [tilespmem:s29+$0x20]  }
0xa4: {  	v55 =	vld [tilespmem:s29+$0xA0];
	v53 =	vmul.f32 v49, v48;
	v54 =	vmul.f32 v51, v50  }
0xa5: {  	v44 =	vmul.f32 v46, v44;
	v56 =	vld [tilespmem:s29+$0x30];
	v26 =	vmul.f32 v59, v47  }
0xa6: {  	v38 =	vmul.f32 v41, v38;
	v57 =	vld [tilespmem:s29+$0xB0];
	v28 =	vmul.f32 v60, v42;
	v39 =	vadd.f32 v54, v53  }
0xa7: {  	v58 =	vld [tilespmem:s29+$0x40];
	v29 =	vmul.f32 v30, v29;
	v59 =	vmul.f32 v61, v31;
	v26 =	vadd.f32 v26, v44  }
0xa8: {  	v25 =	vmul.f32 v52, v25;
	v61 =	vld [tilespmem:s29+$0xC0];
	v28 =	vadd.f32 v28, v38;
	v60 =	vadd.f32 v62, v39  }
0xa9: {  	v20 =	vmul.f32 v55, v20;
	v29 =	vadd.f32 v59, v29;
	v62 =	vld [tilespmem:s29+$0x50];
	v26 =	vadd.f32 v63, v26  }
0xaa: {  	v36 =	vld [tilespmem:s29+$0xD0];
	v17 =	vmul.f32 v56, v17;
	v25 =	vadd.f32 v25, v28;
	v63 =	vadd.f32 v32, v60  }
0xab: {  	v37 =	vld [tilespmem:s29+$0x60];
	v15 =	vmul.f32 v57, v15;
	v20 =	vadd.f32 v20, v29;
	v26 =	vadd.f32 v33, v26  }
0xac: {  	v14 =	vmul.f32 v58, v14;
	v38 =	vld [tilespmem:s29+$0xE0];
	v17 =	vadd.f32 v17, v25;
	v21 =	vadd.f32 v21, v63  }
0xad: {  	v39 =	vld [tilespmem:s29+$0x70];
	v13 =	vmul.f32 v61, v13;
	v15 =	vadd.f32 v15, v20;
	v26 =	vadd.f32 v27, v26  }
0xae: {  	v41 =	vld [tilespmem:s29+$0xF0];
	v14 =	vadd.f32 v14, v17;
	v12 =	vmul.f32 v62, v12;
	v40 =	vadd.f32 v24, v21  }
0xaf: {  	v11 =	vmul.f32 v36, v11;
	v13 =	vadd.f32 v13, v15;
	v19 =	vadd.f32 v19, v26  }
0xb0: {  	v10 =	vmul.f32 v37, v10;
	v12 =	vadd.f32 v12, v14;
	v42 =	vadd.f32 v22, v40  }
0xb1: {  	v7 =	vmul.f32 v38, v7;
	v11 =	vadd.f32 v11, v13;
	v43 =	vadd.f32 v23, v19  }
0xb2: {  	v8 =	vmul.f32 v39, v8;
	v10 =	vadd.f32 v10, v12;
	v44 =	vadd.f32 v18, v42  }
0xb3: {  	v6 =	vmul.f32 v41, v6;
	v7 =	vadd.f32 v7, v11;
	v45 =	vadd.f32 v16, v43  }
0xb4: {  	v8 =	vadd.f32 v8, v10;
	v46 =	vperm.xlane v44, v0  }
0xb5: {  	v6 =	vadd.f32 v6, v7;
	v47 =	vperm.xlane v45, v0  }
0xb6: {  	v48 =	vperm.xlane v8, v0;
	v7 =	vadd.f32 v44, v46  }
0xb7: {  	v49 =	vperm.xlane v6, v0;
	v10 =	vadd.f32 v45, v47  }
0xb8: {  	v8 =	vadd.f32 v8, v48;
	v13 =	vperm.xlane v7, v1  }
0xb9: {  	v6 =	vadd.f32 v6, v49;
	v50 =	vperm.xlane v10, v1  }
0xba: {  	v51 =	vperm.xlane v8, v1;
	v7 =	vadd.f32 v7, v13  }
0xbb: {  	v52 =	vperm.xlane v6, v1;
	v10 =	vadd.f32 v10, v50  }
0xbc: {  	v8 =	vadd.f32 v8, v51;
	v13 =	vperm.xlane v7, v2  }
0xbd: {  	v6 =	vadd.f32 v6, v52;
	v53 =	vperm.xlane v10, v2  }
0xbe: {  	v54 =	vperm.xlane v8, v2;
	v7 =	vadd.f32 v7, v13  }
0xbf: {  	s0 =	sadd.s32 $0x3, s28;
	v55 =	vmov s28;
	v56 =	vperm.xlane v6, v2;
	v10 =	vadd.f32 v10, v53  }
0xc0: {  	v58 =	vmov s0;
	v8 =	vadd.f32 v8, v54;
	v57 =	vperm.xlane v7, v3  }
0xc1: {  	s2 =	sadd.s32 $0x2, s28;
	vm0 =	veq.s32 v55, v4;
	v6 =	vadd.f32 v6, v56;
	v59 =	vperm.xlane v10, v3  }
0xc2: {  	s30 =	sadd.s32 $0x1, s28;
	v60 =	vmov s2;
	v61 =	vperm.xlane v8, v3;
	v7 =	vadd.f32 v7, v57  }
0xc3: {  	v62 =	vmov s30;
	v63 =	vperm.xlane v6, v3;
	v10 =	vadd.f32 v10, v59  }
0xc4: {  	vm13 =	veq.s32 v62, v4;
	v8 =	vadd.f32 v8, v61;
	v7 =	vsel vm0, v7, v9  }
0xc5: {  	vm14 =	veq.s32 v60, v4;
	v6 =	vadd.f32 v6, v63;
	v7 =	vsel vm13, v10, v7  }
0xc6: {  	vm15 =	veq.s32 v58, v4;
	v7 =	vsel vm14, v8, v7  }
0xc7: {  	v6 =	vsel vm15, v6, v7  }
0xc8: {  	v6 =	vsub.f32 $0.0e+00, v6;
	_ =	sdelay $0x1  }
0xc9: {  	v6 =	vmul.f32 $1.442695020e+00, v6;
	_ =	sdelay $0x1  }
0xca: {  	(erf) = vpow2.f32 v6;
	_ =	sdelay $0x8  }
0xcb: {  	v6 =	vpop (erf)  }
0xcc: {  	v6 =	vadd.f32 $1.000000000e+00, v6;
	_ =	sdelay $0x1  }
0xcd: {  	(erf) = vrcp.f32 v6;
	_ =	sdelay $0x3  }
0xce: {  	s31 =	sshll.u32 s26, $0x4;
	s26 =	sadd.s32 $0x1, s26  }
0xcf: {  	p0 =	sne.s32 s26, $0x5  }
.Ltmp1:
0xd0: {  	_ = 	snop;
	(pc) =	sbr.rel @p0 .LBB2_3-.Ltmp1, $3  }
0xd1: {  	_ =	sdelay $0x1  }
0xd2: {  	s0 =	sand.u32 $0x3FFFFFF0, s31;
	v6 =	vpop (erf)  }
0xd3: {  	s24 =	sadd.s32 $0x800, s24;
	s25 =	sadd.s32 $0x800, s25;
	[tilespmem:v5+s0+$0x0 ss:$0x1] =	vst.idx.msk $0xffff, v6  }
0xd4: {  	s23 =	sadd.s32 $0x1, s23  }
0xd5: {  	p0 =	sne.s32 s23, $0x7D  }
.Ltmp2:
0xd6: {  	_ = 	snop;
	(pc) =	sbr.rel @p0 .LBB2_2-.Ltmp2, $2  }
0xd7: {  	_ =	sdelay $0x2  }
0xd8: {  	s22 =	sadd.s32 $0x1, s22  }
0xd9: {  	s21 =	sadd.s32 $0x1, s21  }
0xda: {  	p0 =	sne.s32 s21, s7  }
.Ltmp3:
0xdb: {  	_ = 	snop;
	(pc) =	sbr.rel @p0 .LBB2_1-.Ltmp3, $4  }
0xdc: {  	[hbm4b:s6+s3] =	stream.linear.scatter [tilespmem:s20], [sflag:$0x5], $0x2710, $0x38;
	[tilespmem:$0x1B680] =	vst v63  }
0xdd: {  	_ =	swait.ge [sflag:s8], $0x2710  }
0xde: {  	[sflag:s8] =	ssyncset.done $0x0  }
0xdf: {  	[sflag:s8] =	ssyncadd.s32 $0xFFFFD8F0  }
0xe0: {  	_ =	sfence.sel $0x180000  }
0xe1: {  	[bflag:$0x0] =	sbarrier.arrive $0xFFFF  }
0xe2: {  	_ =	strace $0x90000047  }
0xe3: {  	s0 =	stileid.u32;
	[bflag:$0x2] =	sbarrier.arrive $0xFFFF  }
0xe4: {  	p0 =	sne.s32 s0, $0x0;
	s0 =	rddreg [dreg:$0x3]  }
0xe5: {  	s0 =	sadd.s32 @!p0 $0x100000, s0  }
0xe6: {  	[sflag:s0] =	ssyncadd.tile.s32 @!p0 $0x1;
	_ =	shalt  }
.Lfunc_end2:
_tile_overlayer_lowered:
.L_overlay_start_2:
0xe7: {  	(tag) =	ssettag $0x2  }
0xe8: {  	s0 =	rddreg [dreg:$0x0];
	s2 =	stileid.u32  }
0xe9: {  	s1 =	rddreg [dreg:$0x1];
	p0 =	sne.s32 s2, $0x0  }
0xea: {  	s3 =	rddreg [dreg:$0x2];
	[bflag:$0x3] =	sbarrier.arrive $0xFFFF;
	s2 =	simm.s32 @!p0 $0x1C05  }
0xeb: {  	[timem:s3], [sflag:s2] =	dma.local @!p0 [hbm:s0], s1  }
0xec: {  	s0 =	simm.s32 @!p0 $0x5  }
0xed: {  	_ =	swait.ge @!p0 [sflag:s0], s1  }
0xee: {  	s1 =	ssub.s32 @!p0 $0x0, s1;
	[sflag:s0] =	ssyncset.done @!p0 $0x0  }
0xef: {  	[sflag:s0] =	ssyncadd.s32 @!p0 s1  }
0xf0: {  	[bflag:$0x3] =	sbarrier.arrive $0xFFFF  }
0xf1: {  	_ =	shalt  }

</sc_bundles>
